<compile_context>
chip_gen: v7x
topology: tpu7x:2x2x1
jax: 0.10.2.dev20260603
libtpu: 0.0.44.dev20260713+nightly
codegen_flags: <defaults>
</compile_context>

<pallas_src>
import functools

import jax
import jax.numpy as jnp
from jax import lax
from jax.experimental import pallas as pl
from jax.experimental.pallas import tpu as pltpu
from jax.experimental.pallas import tpu_sc as plsc

_B, _T, _D = 16, 576, 256
_N, _K = 4, 1024
_Dn = _D // _N
_BT = _B * _T
_TB = 1152
_GRID = _BT // _TB
_IC = 128
_NI = _TB // _IC
_TBK = 2304
_GK = _BT // _TBK
_NIK = _TBK // _IC
_NC, _NS = 2, 16

_PREC = lax.Precision.DEFAULT


def _tc_body(z_ref, emb_ref, amin_ref, gidx_ref):
    z = z_ref[...]
    for n in range(_N):
        zn = z[:, n * _Dn:(n + 1) * _Dn]
        en = emb_ref[n]
        mm2 = lax.dot_general(zn, -2.0 * en, (((1,), (0,)), ((), ())),
                              precision=_PREC,
                              preferred_element_type=jnp.float32)
        znorm = jnp.sum(zn * zn, axis=1, keepdims=True)
        enorm = jnp.sum(en * en, axis=0, keepdims=True)
        dist = (znorm + mm2) + enorm
        amin = jnp.argmin(dist, axis=1).astype(jnp.int32)
        amin_ref[n] = amin.reshape(_NIK, _IC)
        gidx_ref[n] = (amin + n * _K).reshape(_NIK, _IC)


def _tc_stage(zflat, embed):
    return pl.pallas_call(
        _tc_body,
        grid=(_GK,),
        in_specs=[
            pl.BlockSpec((_TBK, _D), lambda i: (i, 0)),
            pl.BlockSpec((_N, _Dn, _K), lambda i: (0, 0, 0)),
        ],
        out_specs=[
            pl.BlockSpec((_N, _NIK, _IC), lambda i: (i, 0, 0)),
            pl.BlockSpec((_N, _NIK, _IC), lambda i: (i, 0, 0)),
        ],
        out_shape=[
            jax.ShapeDtypeStruct((_GK * _N, _NIK, _IC), jnp.int32),
            jax.ShapeDtypeStruct((_GK * _N, _NIK, _IC), jnp.int32),
        ],
    )(zflat, embed)


@functools.cache
def _sc_gather_kernel():
    mesh = plsc.VectorSubcoreMesh(core_axis_name="c", subcore_axis_name="s")

    @functools.partial(
        pl.kernel,
        out_type=(
            jax.ShapeDtypeStruct((_BT, _D), jnp.float32),
            jax.ShapeDtypeStruct((_GRID, _N, _K), jnp.float32),
        ),
        mesh=mesh,
        scratch_types=[
            pltpu.VMEM((_TB,), jnp.int32),
            pltpu.VMEM((_TB, _Dn), jnp.float32),
            pltpu.VMEM((_K,), jnp.float32),
            pltpu.VMEM_SHARED((_N * _K, _Dn), jnp.float32),
            pltpu.SemaphoreType.DMA,
        ],
        compiler_params=pltpu.CompilerParams(
            use_tc_tiling_on_sc=False, needs_layout_passes=False),
    )
    def _sc_gather(gidx_hbm, table_hbm, out_hbm, hist_hbm,
                   idx_v, rows_v, acc_v, table_sh, sem):
        c = lax.axis_index("c")
        s = lax.axis_index("s")
        w = s * _NC + c
        g = w // _N
        n = w % _N
        off = ((g // 2) * _N + n) * _TBK + (g % 2) * _TB
        @pl.when(s == 0)
        def _stage():
            pltpu.sync_copy(table_hbm, table_sh)
        plsc.subcore_barrier()
        pltpu.sync_copy(gidx_hbm.at[pl.ds(off, _TB)], idx_v)
        copies = []
        for j in range(_NI):
            copies.append(pltpu.async_copy(
                table_sh.at[idx_v.at[pl.ds(j * _IC, _IC)]],
                rows_v.at[pl.ds(j * _IC, _IC)], sem))
        for j in range(_K // 16):
            acc_v[pl.ds(j * 16, 16)] = jnp.zeros((16,), jnp.float32)
        base = jnp.full((16,), n * _K, jnp.int32)
        ones = jnp.ones((16,), jnp.float32)
        for j in range(_TB // 16):
            iv = idx_v[pl.ds(j * 16, 16)] - base
            plsc.addupdate_scatter(acc_v, [iv], ones)
        pltpu.sync_copy(acc_v, hist_hbm.at[g, n])
        for cp in copies:
            cp.wait()
        pltpu.sync_copy(rows_v,
                        out_hbm.at[pl.ds(g * _TB, _TB), pl.ds(n * _Dn, _Dn)])

    return _sc_gather


def _tc_final_body(z_ref, q_ref, hist_ref, zq_ref, diff_ref, ppl_ref):
    i = pl.program_id(0)

    @pl.when(i == 0)
    def _init():
        diff_ref[...] = jnp.zeros_like(diff_ref)
        ppl_ref[...] = jnp.zeros_like(ppl_ref)

    q = q_ref[...].reshape(_TB, _D)
    zq_ref[...] = q
    r = q - z_ref[...]
    acc = jnp.sum(r * r).reshape(1, 1)
    diff_ref[...] = diff_ref[...] + acc

    @pl.when(i == _GRID - 1)
    def _finish():
        diff_ref[...] = diff_ref[...] * (1.0 / (_B * _T * _D))
        counts = jnp.sum(hist_ref[...], axis=0)
        probs = counts * (1.0 / _BT)
        ent = -jnp.sum(probs * jnp.log(probs + 1e-10), axis=-1)
        ppl_ref[...] = jnp.mean(jnp.exp(ent)).reshape(1, 1)


def _tc_final(zflat, quant, hist):
    return pl.pallas_call(
        _tc_final_body,
        grid=(_GRID,),
        in_specs=[
            pl.BlockSpec((_TB, _D), lambda i: (i, 0)),
            pl.BlockSpec((2 * _TB, 128), lambda i: (i, 0)),
            pl.BlockSpec((_GRID, _N, _K), lambda i: (0, 0, 0)),
        ],
        out_specs=[
            pl.BlockSpec((_TB, _D), lambda i: (i, 0)),
            pl.BlockSpec((1, 1), lambda i: (0, 0)),
            pl.BlockSpec((1, 1), lambda i: (0, 0)),
        ],
        out_shape=[
            jax.ShapeDtypeStruct((_BT, _D), jnp.float32),
            jax.ShapeDtypeStruct((1, 1), jnp.float32),
            jax.ShapeDtypeStruct((1, 1), jnp.float32),
        ],
    )(zflat, quant.reshape(2 * _BT, 128), hist)


def kernel(z_e, embed):
    zflat = z_e.reshape(_BT, _D)
    amin3, gidx3 = _tc_stage(zflat, embed)
    codes = jnp.transpose(embed, (0, 2, 1)).reshape(_N * _K, _Dn)
    quant, hist = _sc_gather_kernel()(gidx3.reshape(_GRID * _N * _TB), codes)
    zq2, diff, ppl = _tc_final(zflat, quant, hist)
    z_q = zq2.reshape(_B, _T, _D)
    argmin = jnp.transpose(amin3.reshape(_GK, _N, _TBK),
                           (1, 0, 2)).reshape(_N, _BT)
    return z_q, diff.reshape(()), ppl.reshape(()), argmin

# --- scband reference (transcript-rebuilt; emitter-appended) ---
"""Pipeline reference for scband-qstack-15788299780328 (READ-ONLY COPY).

The authoritative reference and input builder live on the scoring server;
editing this copy changes nothing except your own understanding.
"""

import jax, jax.numpy as jnp
import numpy as np

B, T, D = 16, 576, 256
N, K = 4, 1024
Dn = D // N

def setup_inputs(seed: int = 0) -> dict:
    key = jax.random.key(seed)
    k1, k2 = jax.random.split(key)
    z_e = jax.random.normal(k1, (B, T, D), dtype=jnp.float32)
    # rosinality-style Quantize stores embed as [dim, K]; here one per codebook: [N, Dn, K]
    embed = jax.random.normal(k2, (N, Dn, K), dtype=jnp.float32)
    return {"z_e": z_e, "embed": embed}

def reference(z_e, embed):
    b, t, d = z_e.shape
    n, dn, k = embed.shape
    # split channels into N codebook groups: [N, B*T, Dn]
    z = z_e.reshape(b, t, n, dn)
    flat = jnp.transpose(z, (2, 0, 1, 3)).reshape(n, b * t, dn)
    # squared L2 distance to each code: ||z||^2 - 2 z.e + ||e||^2
    dist = (
        jnp.sum(flat ** 2, axis=-1, keepdims=True)
        - 2.0 * jnp.einsum('nbd,ndk->nbk', flat, embed)
        + jnp.sum(embed ** 2, axis=1)[:, None, :]
    )
    argmin = jnp.argmin(dist, axis=-1)  # [N, B*T] int
    # gather nearest codes
    codes = jnp.transpose(embed, (0, 2, 1))  # [N, K, Dn]
    quant = jnp.take_along_axis(codes, argmin[..., None], axis=1)  # [N, B*T, Dn]
    z_q = jnp.transpose(quant.reshape(n, b, t, dn), (1, 2, 0, 3)).reshape(b, t, d)
    # commitment loss (EMA codebook update in torch -> codebook detached)
    diff = jnp.mean((jax.lax.stop_gradient(z_q) - z_e) ** 2)
    # straight-through estimator
    z_q_st = z_e + jax.lax.stop_gradient(z_q - z_e)
    # perplexity per codebook, averaged
    onehot = jax.nn.one_hot(argmin, k, dtype=jnp.float32)  # [N, B*T, K]
    probs = jnp.mean(onehot, axis=1)  # [N, K]
    ppl = jnp.mean(jnp.exp(-jnp.sum(probs * jnp.log(probs + 1e-10), axis=-1)))
    return z_q_st, diff, ppl, argmin

if __name__ == "__main__":
    import jax
    _d = setup_inputs()
    print(jax.jit(kernel)(*tuple(_d.values())))

</pallas_src>

<mosaic_0001>
#map = affine_map<(d0, d1) -> (0)>
#map1 = affine_map<(d0, d1) -> (0, 0)>
#map2 = affine_map<(d0, d1) -> (0, 0, 0)>
module attributes {stable_mosaic.version = 14 : i64} {
  func.func @_sc_gather(%arg0: i32, %arg1: i32, %arg2: memref<36864xi32, #tpu.memory_space<hbm>>, %arg3: memref<4096x64xf32, #tpu.memory_space<hbm>>, %arg4: memref<9216x256xf32, #tpu.memory_space<hbm>>, %arg5: memref<8x4x1024xf32, #tpu.memory_space<hbm>>, %arg6: memref<1152xi32, #tpu.memory_space<vmem>>, %arg7: memref<1152x64xf32, #tpu.memory_space<vmem>>, %arg8: memref<1024xf32, #tpu.memory_space<vmem>>, %arg9: memref<4096x64xf32, #tpu.memory_space<vmem_shared>>, %arg10: memref<!tpu.dma_semaphore, #tpu.memory_space<semaphore_mem>>) attributes {dimension_semantics = [#tpu.dimension_semantics<core_parallel>, #tpu.dimension_semantics<subcore_parallel>], iteration_bounds = array<i64: 2, 16>, scalar_prefetch = 0 : i64, scratch_operands = 5 : i64, tpu.core_type = #tpu.core_type<sc_vector_subcore>, window_params = [{transform_indices = #map}, {transform_indices = #map1}, {transform_indices = #map1}, {transform_indices = #map2}]} {
    %mul3A = arith.constant 2 : i32
    %mul3A_0 = arith.muli %arg1, %mul3A : i32
    %add3A = arith.addi %mul3A_0, %arg0 : i32
    %jit3A = arith.constant 4 : i32
    %div3A = arith.divsi %add3A, %jit3A : i32
    %sign3A = arith.constant 0 : i32
    %sign3A_1 = arith.cmpi sgt, %add3A, %sign3A : i32
    %sign3A_2 = arith.extui %sign3A_1 : i1 to i32
    %sign3A_3 = arith.constant 0 : i32
    %sign3A_4 = arith.cmpi slt, %add3A, %sign3A_3 : i32
    %sign3A_5 = arith.extui %sign3A_4 : i1 to i32
    %sign3A_6 = arith.subi %sign3A_2, %sign3A_5 : i32
    %sign3A_7 = arith.constant 0 : i32
    %sign3A_8 = arith.cmpi sgt, %jit3A, %sign3A_7 : i32
    %sign3A_9 = arith.extui %sign3A_8 : i1 to i32
    %sign3A_10 = arith.constant 0 : i32
    %sign3A_11 = arith.cmpi slt, %jit3A, %sign3A_10 : i32
    %sign3A_12 = arith.extui %sign3A_11 : i1 to i32
    %sign3A_13 = arith.subi %sign3A_9, %sign3A_12 : i32
    %ne3A = arith.cmpi ne, %sign3A_6, %sign3A_13 : i32
    %rem3A = arith.remsi %add3A, %jit3A : i32
    %ne3A_14 = arith.constant 0 : i32
    %ne3A_15 = arith.cmpi ne, %rem3A, %ne3A_14 : i32
    %and3A = arith.andi %ne3A, %ne3A_15 : i1
    %sub3A = arith.constant 1 : i32
    %sub3A_16 = arith.subi %div3A, %sub3A : i32
    %select_n3A = arith.select %and3A, %sub3A_16, %div3A : i32
    %jit3A_17 = arith.constant 4 : i32
    %eq3A = arith.constant 0 : i32
    %eq3A_18 = arith.cmpi eq, %jit3A_17, %eq3A : i32
    %jit3A_19 = arith.constant 1 : i32
    %select_n3A_20 = arith.select %eq3A_18, %jit3A_19, %jit3A_17 : i32
    %rem3A_21 = arith.remsi %add3A, %select_n3A_20 : i32
    %ne3A_22 = arith.constant 0 : i32
    %ne3A_23 = arith.cmpi ne, %rem3A_21, %ne3A_22 : i32
    %lt3A = arith.constant 0 : i32
    %lt3A_24 = arith.cmpi slt, %rem3A_21, %lt3A : i32
    %lt3A_25 = arith.constant 0 : i32
    %lt3A_26 = arith.cmpi slt, %select_n3A_20, %lt3A_25 : i32
    %ne3A_27 = arith.xori %lt3A_24, %lt3A_26 : i1
    %and3A_28 = arith.andi %ne3A_27, %ne3A_23 : i1
    %add3A_29 = arith.addi %rem3A_21, %select_n3A_20 : i32
    %select_n3A_30 = arith.select %and3A_28, %add3A_29, %rem3A_21 : i32
    %jit3A_31 = arith.constant 2 : i32
    %div3A_32 = arith.divsi %select_n3A, %jit3A_31 : i32
    %sign3A_33 = arith.constant 0 : i32
    %sign3A_34 = arith.cmpi sgt, %select_n3A, %sign3A_33 : i32
    %sign3A_35 = arith.extui %sign3A_34 : i1 to i32
    %sign3A_36 = arith.constant 0 : i32
    %sign3A_37 = arith.cmpi slt, %select_n3A, %sign3A_36 : i32
    %sign3A_38 = arith.extui %sign3A_37 : i1 to i32
    %sign3A_39 = arith.subi %sign3A_35, %sign3A_38 : i32
    %sign3A_40 = arith.constant 0 : i32
    %sign3A_41 = arith.cmpi sgt, %jit3A_31, %sign3A_40 : i32
    %sign3A_42 = arith.extui %sign3A_41 : i1 to i32
    %sign3A_43 = arith.constant 0 : i32
    %sign3A_44 = arith.cmpi slt, %jit3A_31, %sign3A_43 : i32
    %sign3A_45 = arith.extui %sign3A_44 : i1 to i32
    %sign3A_46 = arith.subi %sign3A_42, %sign3A_45 : i32
    %ne3A_47 = arith.cmpi ne, %sign3A_39, %sign3A_46 : i32
    %rem3A_48 = arith.remsi %select_n3A, %jit3A_31 : i32
    %ne3A_49 = arith.constant 0 : i32
    %ne3A_50 = arith.cmpi ne, %rem3A_48, %ne3A_49 : i32
    %and3A_51 = arith.andi %ne3A_47, %ne3A_50 : i1
    %sub3A_52 = arith.constant 1 : i32
    %sub3A_53 = arith.subi %div3A_32, %sub3A_52 : i32
    %select_n3A_54 = arith.select %and3A_51, %sub3A_53, %div3A_32 : i32
    %mul3A_55 = arith.constant 4 : i32
    %mul3A_56 = arith.muli %select_n3A_54, %mul3A_55 : i32
    %add3A_57 = arith.addi %mul3A_56, %select_n3A_30 : i32
    %mul3A_58 = arith.constant 2304 : i32
    %mul3A_59 = arith.muli %add3A_57, %mul3A_58 : i32
    %jit3A_60 = arith.constant 2 : i32
    %eq3A_61 = arith.constant 0 : i32
    %eq3A_62 = arith.cmpi eq, %jit3A_60, %eq3A_61 : i32
    %jit3A_63 = arith.constant 1 : i32
    %select_n3A_64 = arith.select %eq3A_62, %jit3A_63, %jit3A_60 : i32
    %rem3A_65 = arith.remsi %select_n3A, %select_n3A_64 : i32
    %ne3A_66 = arith.constant 0 : i32
    %ne3A_67 = arith.cmpi ne, %rem3A_65, %ne3A_66 : i32
    %lt3A_68 = arith.constant 0 : i32
    %lt3A_69 = arith.cmpi slt, %rem3A_65, %lt3A_68 : i32
    %lt3A_70 = arith.constant 0 : i32
    %lt3A_71 = arith.cmpi slt, %select_n3A_64, %lt3A_70 : i32
    %ne3A_72 = arith.xori %lt3A_69, %lt3A_71 : i1
    %and3A_73 = arith.andi %ne3A_72, %ne3A_67 : i1
    %add3A_74 = arith.addi %rem3A_65, %select_n3A_64 : i32
    %select_n3A_75 = arith.select %and3A_73, %add3A_74, %rem3A_65 : i32
    %mul3A_76 = arith.constant 1152 : i32
    %mul3A_77 = arith.muli %select_n3A_75, %mul3A_76 : i32
    %add3A_78 = arith.addi %mul3A_59, %mul3A_77 : i32
    %eq3A_79 = arith.constant 0 : i32
    %eq3A_80 = arith.cmpi eq, %arg1, %eq3A_79 : i32
    %convert_element_type3A = arith.extui %eq3A_80 : i1 to i32
    %cond3A = arith.constant 0 : i32
    %cond3A_81 = arith.cmpi ne, %convert_element_type3A, %cond3A : i32
    scf.if %cond3A_81 {
      "tpu.region"() ({
        %run_scoped3A = tpu.sem_alloc : memref<!tpu.dma_semaphore, #tpu.memory_space<semaphore_mem>>
        tpu.enqueue_dma source(%arg3 : memref<4096x64xf32, #tpu.memory_space<hbm>>) target(%arg9 : memref<4096x64xf32, #tpu.memory_space<vmem_shared>>) target_semaphore(%run_scoped3A : memref<!tpu.dma_semaphore, #tpu.memory_space<semaphore_mem>>)
        tpu.wait_dma2 semaphore(%run_scoped3A : memref<!tpu.dma_semaphore, #tpu.memory_space<semaphore_mem>>) src(%arg3 : memref<4096x64xf32, #tpu.memory_space<hbm>>) dst(%arg9 : memref<4096x64xf32, #tpu.memory_space<vmem_shared>>)
        tpu.yield
      }) : () -> ()
    } else {
    }
    %barrier3A = arith.constant 0 : index
    tpu.barrier barrier_id(%barrier3A)
    "tpu.region"() ({
      %run_scoped3A = tpu.sem_alloc : memref<!tpu.dma_semaphore, #tpu.memory_space<semaphore_mem>>
      %dma_start3A_702 = tpu.memref_slice %arg2[%add3A_78] : memref<36864xi32, #tpu.memory_space<hbm>> -> memref<1152xi32, #tpu.memory_space<hbm>>
      %dma_start3A_703 = tpu.memref_slice %arg2[%add3A_78] : memref<36864xi32, #tpu.memory_space<hbm>> -> memref<1152xi32, #tpu.memory_space<hbm>>
      tpu.enqueue_dma source(%dma_start3A_703 : memref<1152xi32, #tpu.memory_space<hbm>>) target(%arg6 : memref<1152xi32, #tpu.memory_space<vmem>>) target_semaphore(%run_scoped3A : memref<!tpu.dma_semaphore, #tpu.memory_space<semaphore_mem>>)
      %dma_wait3A_704 = tpu.memref_slice %arg2[%add3A_78] : memref<36864xi32, #tpu.memory_space<hbm>> -> memref<1152xi32, #tpu.memory_space<hbm>>
      %dma_wait3A_705 = tpu.memref_slice %arg2[%add3A_78] : memref<36864xi32, #tpu.memory_space<hbm>> -> memref<1152xi32, #tpu.memory_space<hbm>>
      tpu.wait_dma2 semaphore(%run_scoped3A : memref<!tpu.dma_semaphore, #tpu.memory_space<semaphore_mem>>) src(%dma_wait3A_705 : memref<1152xi32, #tpu.memory_space<hbm>>) dst(%arg6 : memref<1152xi32, #tpu.memory_space<vmem>>)
      tpu.yield
    }) : () -> ()
    %dma_start3A = arith.constant 0 : i32
    %dma_start3A_82 = arith.constant 0 : i32
    %dma_start3A_83 = tpu.memref_slice %arg7[%dma_start3A, %dma_start3A_82] : memref<1152x64xf32, #tpu.memory_space<vmem>> -> memref<128x64xf32, #tpu.memory_space<vmem>>
    %dma_start3A_84 = arith.constant 0 : i32
    %dma_start3A_85 = tpu.memref_slice %arg6[%dma_start3A_84] : memref<1152xi32, #tpu.memory_space<vmem>> -> memref<128xi32, #tpu.memory_space<vmem>>
    %dma_start3A_86 = arith.constant 0 : i32
    %dma_start3A_87 = arith.constant 0 : i32
    %dma_start3A_88 = tpu.memref_slice %arg9[%dma_start3A_86, %dma_start3A_87] : memref<4096x64xf32, #tpu.memory_space<vmem_shared>> -> memref<4096x64xf32, #tpu.memory_space<vmem_shared>>
    tpu.enqueue_indirect_dma source(%dma_start3A_88 : memref<4096x64xf32, #tpu.memory_space<vmem_shared>>) target(%dma_start3A_83 : memref<128x64xf32, #tpu.memory_space<vmem>>) offsets(%dma_start3A_85 : memref<128xi32, #tpu.memory_space<vmem>>) semaphore(%arg10 : memref<!tpu.dma_semaphore, #tpu.memory_space<semaphore_mem>>)
    %dma_start3A_89 = arith.constant 128 : i32
    %dma_start3A_90 = arith.constant 0 : i32
    %dma_start3A_91 = tpu.memref_slice %arg7[%dma_start3A_89, %dma_start3A_90] : memref<1152x64xf32, #tpu.memory_space<vmem>> -> memref<128x64xf32, #tpu.memory_space<vmem>>
    %dma_start3A_92 = arith.constant 128 : i32
    %dma_start3A_93 = tpu.memref_slice %arg6[%dma_start3A_92] : memref<1152xi32, #tpu.memory_space<vmem>> -> memref<128xi32, #tpu.memory_space<vmem>>
    %dma_start3A_94 = arith.constant 0 : i32
    %dma_start3A_95 = arith.constant 0 : i32
    %dma_start3A_96 = tpu.memref_slice %arg9[%dma_start3A_94, %dma_start3A_95] : memref<4096x64xf32, #tpu.memory_space<vmem_shared>> -> memref<4096x64xf32, #tpu.memory_space<vmem_shared>>
    tpu.enqueue_indirect_dma source(%dma_start3A_96 : memref<4096x64xf32, #tpu.memory_space<vmem_shared>>) target(%dma_start3A_91 : memref<128x64xf32, #tpu.memory_space<vmem>>) offsets(%dma_start3A_93 : memref<128xi32, #tpu.memory_space<vmem>>) semaphore(%arg10 : memref<!tpu.dma_semaphore, #tpu.memory_space<semaphore_mem>>)
    %dma_start3A_97 = arith.constant 256 : i32
    %dma_start3A_98 = arith.constant 0 : i32
    %dma_start3A_99 = tpu.memref_slice %arg7[%dma_start3A_97, %dma_start3A_98] : memref<1152x64xf32, #tpu.memory_space<vmem>> -> memref<128x64xf32, #tpu.memory_space<vmem>>
    %dma_start3A_100 = arith.constant 256 : i32
    %dma_start3A_101 = tpu.memref_slice %arg6[%dma_start3A_100] : memref<1152xi32, #tpu.memory_space<vmem>> -> memref<128xi32, #tpu.memory_space<vmem>>
    %dma_start3A_102 = arith.constant 0 : i32
    %dma_start3A_103 = arith.constant 0 : i32
    %dma_start3A_104 = tpu.memref_slice %arg9[%dma_start3A_102, %dma_start3A_103] : memref<4096x64xf32, #tpu.memory_space<vmem_shared>> -> memref<4096x64xf32, #tpu.memory_space<vmem_shared>>
    tpu.enqueue_indirect_dma source(%dma_start3A_104 : memref<4096x64xf32, #tpu.memory_space<vmem_shared>>) target(%dma_start3A_99 : memref<128x64xf32, #tpu.memory_space<vmem>>) offsets(%dma_start3A_101 : memref<128xi32, #tpu.memory_space<vmem>>) semaphore(%arg10 : memref<!tpu.dma_semaphore, #tpu.memory_space<semaphore_mem>>)
    %dma_start3A_105 = arith.constant 384 : i32
    %dma_start3A_106 = arith.constant 0 : i32
    %dma_start3A_107 = tpu.memref_slice %arg7[%dma_start3A_105, %dma_start3A_106] : memref<1152x64xf32, #tpu.memory_space<vmem>> -> memref<128x64xf32, #tpu.memory_space<vmem>>
    %dma_start3A_108 = arith.constant 384 : i32
    %dma_start3A_109 = tpu.memref_slice %arg6[%dma_start3A_108] : memref<1152xi32, #tpu.memory_space<vmem>> -> memref<128xi32, #tpu.memory_space<vmem>>
    %dma_start3A_110 = arith.constant 0 : i32
    %dma_start3A_111 = arith.constant 0 : i32
    %dma_start3A_112 = tpu.memref_slice %arg9[%dma_start3A_110, %dma_start3A_111] : memref<4096x64xf32, #tpu.memory_space<vmem_shared>> -> memref<4096x64xf32, #tpu.memory_space<vmem_shared>>
    tpu.enqueue_indirect_dma source(%dma_start3A_112 : memref<4096x64xf32, #tpu.memory_space<vmem_shared>>) target(%dma_start3A_107 : memref<128x64xf32, #tpu.memory_space<vmem>>) offsets(%dma_start3A_109 : memref<128xi32, #tpu.memory_space<vmem>>) semaphore(%arg10 : memref<!tpu.dma_semaphore, #tpu.memory_space<semaphore_mem>>)
    %dma_start3A_113 = arith.constant 512 : i32
    %dma_start3A_114 = arith.constant 0 : i32
    %dma_start3A_115 = tpu.memref_slice %arg7[%dma_start3A_113, %dma_start3A_114] : memref<1152x64xf32, #tpu.memory_space<vmem>> -> memref<128x64xf32, #tpu.memory_space<vmem>>
    %dma_start3A_116 = arith.constant 512 : i32
    %dma_start3A_117 = tpu.memref_slice %arg6[%dma_start3A_116] : memref<1152xi32, #tpu.memory_space<vmem>> -> memref<128xi32, #tpu.memory_space<vmem>>
    %dma_start3A_118 = arith.constant 0 : i32
    %dma_start3A_119 = arith.constant 0 : i32
    %dma_start3A_120 = tpu.memref_slice %arg9[%dma_start3A_118, %dma_start3A_119] : memref<4096x64xf32, #tpu.memory_space<vmem_shared>> -> memref<4096x64xf32, #tpu.memory_space<vmem_shared>>
    tpu.enqueue_indirect_dma source(%dma_start3A_120 : memref<4096x64xf32, #tpu.memory_space<vmem_shared>>) target(%dma_start3A_115 : memref<128x64xf32, #tpu.memory_space<vmem>>) offsets(%dma_start3A_117 : memref<128xi32, #tpu.memory_space<vmem>>) semaphore(%arg10 : memref<!tpu.dma_semaphore, #tpu.memory_space<semaphore_mem>>)
    %dma_start3A_121 = arith.constant 640 : i32
    %dma_start3A_122 = arith.constant 0 : i32
    %dma_start3A_123 = tpu.memref_slice %arg7[%dma_start3A_121, %dma_start3A_122] : memref<1152x64xf32, #tpu.memory_space<vmem>> -> memref<128x64xf32, #tpu.memory_space<vmem>>
    %dma_start3A_124 = arith.constant 640 : i32
    %dma_start3A_125 = tpu.memref_slice %arg6[%dma_start3A_124] : memref<1152xi32, #tpu.memory_space<vmem>> -> memref<128xi32, #tpu.memory_space<vmem>>
    %dma_start3A_126 = arith.constant 0 : i32
    %dma_start3A_127 = arith.constant 0 : i32
    %dma_start3A_128 = tpu.memref_slice %arg9[%dma_start3A_126, %dma_start3A_127] : memref<4096x64xf32, #tpu.memory_space<vmem_shared>> -> memref<4096x64xf32, #tpu.memory_space<vmem_shared>>
    tpu.enqueue_indirect_dma source(%dma_start3A_128 : memref<4096x64xf32, #tpu.memory_space<vmem_shared>>) target(%dma_start3A_123 : memref<128x64xf32, #tpu.memory_space<vmem>>) offsets(%dma_start3A_125 : memref<128xi32, #tpu.memory_space<vmem>>) semaphore(%arg10 : memref<!tpu.dma_semaphore, #tpu.memory_space<semaphore_mem>>)
    %dma_start3A_129 = arith.constant 768 : i32
    %dma_start3A_130 = arith.constant 0 : i32
    %dma_start3A_131 = tpu.memref_slice %arg7[%dma_start3A_129, %dma_start3A_130] : memref<1152x64xf32, #tpu.memory_space<vmem>> -> memref<128x64xf32, #tpu.memory_space<vmem>>
    %dma_start3A_132 = arith.constant 768 : i32
    %dma_start3A_133 = tpu.memref_slice %arg6[%dma_start3A_132] : memref<1152xi32, #tpu.memory_space<vmem>> -> memref<128xi32, #tpu.memory_space<vmem>>
    %dma_start3A_134 = arith.constant 0 : i32
    %dma_start3A_135 = arith.constant 0 : i32
    %dma_start3A_136 = tpu.memref_slice %arg9[%dma_start3A_134, %dma_start3A_135] : memref<4096x64xf32, #tpu.memory_space<vmem_shared>> -> memref<4096x64xf32, #tpu.memory_space<vmem_shared>>
    tpu.enqueue_indirect_dma source(%dma_start3A_136 : memref<4096x64xf32, #tpu.memory_space<vmem_shared>>) target(%dma_start3A_131 : memref<128x64xf32, #tpu.memory_space<vmem>>) offsets(%dma_start3A_133 : memref<128xi32, #tpu.memory_space<vmem>>) semaphore(%arg10 : memref<!tpu.dma_semaphore, #tpu.memory_space<semaphore_mem>>)
    %dma_start3A_137 = arith.constant 896 : i32
    %dma_start3A_138 = arith.constant 0 : i32
    %dma_start3A_139 = tpu.memref_slice %arg7[%dma_start3A_137, %dma_start3A_138] : memref<1152x64xf32, #tpu.memory_space<vmem>> -> memref<128x64xf32, #tpu.memory_space<vmem>>
    %dma_start3A_140 = arith.constant 896 : i32
    %dma_start3A_141 = tpu.memref_slice %arg6[%dma_start3A_140] : memref<1152xi32, #tpu.memory_space<vmem>> -> memref<128xi32, #tpu.memory_space<vmem>>
    %dma_start3A_142 = arith.constant 0 : i32
    %dma_start3A_143 = arith.constant 0 : i32
    %dma_start3A_144 = tpu.memref_slice %arg9[%dma_start3A_142, %dma_start3A_143] : memref<4096x64xf32, #tpu.memory_space<vmem_shared>> -> memref<4096x64xf32, #tpu.memory_space<vmem_shared>>
    tpu.enqueue_indirect_dma source(%dma_start3A_144 : memref<4096x64xf32, #tpu.memory_space<vmem_shared>>) target(%dma_start3A_139 : memref<128x64xf32, #tpu.memory_space<vmem>>) offsets(%dma_start3A_141 : memref<128xi32, #tpu.memory_space<vmem>>) semaphore(%arg10 : memref<!tpu.dma_semaphore, #tpu.memory_space<semaphore_mem>>)
    %dma_start3A_145 = arith.constant 1024 : i32
    %dma_start3A_146 = arith.constant 0 : i32
    %dma_start3A_147 = tpu.memref_slice %arg7[%dma_start3A_145, %dma_start3A_146] : memref<1152x64xf32, #tpu.memory_space<vmem>> -> memref<128x64xf32, #tpu.memory_space<vmem>>
    %dma_start3A_148 = arith.constant 1024 : i32
    %dma_start3A_149 = tpu.memref_slice %arg6[%dma_start3A_148] : memref<1152xi32, #tpu.memory_space<vmem>> -> memref<128xi32, #tpu.memory_space<vmem>>
    %dma_start3A_150 = arith.constant 0 : i32
    %dma_start3A_151 = arith.constant 0 : i32
    %dma_start3A_152 = tpu.memref_slice %arg9[%dma_start3A_150, %dma_start3A_151] : memref<4096x64xf32, #tpu.memory_space<vmem_shared>> -> memref<4096x64xf32, #tpu.memory_space<vmem_shared>>
    tpu.enqueue_indirect_dma source(%dma_start3A_152 : memref<4096x64xf32, #tpu.memory_space<vmem_shared>>) target(%dma_start3A_147 : memref<128x64xf32, #tpu.memory_space<vmem>>) offsets(%dma_start3A_149 : memref<128xi32, #tpu.memory_space<vmem>>) semaphore(%arg10 : memref<!tpu.dma_semaphore, #tpu.memory_space<semaphore_mem>>)
    %broadcast_in_dim3A = arith.constant 0.000000e+00 : f32
    %broadcast_in_dim3A_153 = vector.broadcast %broadcast_in_dim3A : f32 to vector<16xf32>
    %swap3A = arith.constant 0 : index
    %swap3A_154 = tpu.vector_load %arg8[%swap3A] {strides = array<i32>} : memref<1024xf32, #tpu.memory_space<vmem>>, vector<16xf32>,
    tpu.vector_store %arg8[%swap3A], %broadcast_in_dim3A_153 {strides = array<i32>} : memref<1024xf32, #tpu.memory_space<vmem>>, vector<16xf32>,
    %broadcast_in_dim3A_155 = arith.constant 0.000000e+00 : f32
    %broadcast_in_dim3A_156 = vector.broadcast %broadcast_in_dim3A_155 : f32 to vector<16xf32>
    %swap3A_157 = arith.constant 16 : index
    %swap3A_158 = tpu.vector_load %arg8[%swap3A_157] {strides = array<i32>} : memref<1024xf32, #tpu.memory_space<vmem>>, vector<16xf32>,
    tpu.vector_store %arg8[%swap3A_157], %broadcast_in_dim3A_156 {strides = array<i32>} : memref<1024xf32, #tpu.memory_space<vmem>>, vector<16xf32>,
    %broadcast_in_dim3A_159 = arith.constant 0.000000e+00 : f32
    %broadcast_in_dim3A_160 = vector.broadcast %broadcast_in_dim3A_159 : f32 to vector<16xf32>
    %swap3A_161 = arith.constant 32 : index
    %swap3A_162 = tpu.vector_load %arg8[%swap3A_161] {strides = array<i32>} : memref<1024xf32, #tpu.memory_space<vmem>>, vector<16xf32>,
    tpu.vector_store %arg8[%swap3A_161], %broadcast_in_dim3A_160 {strides = array<i32>} : memref<1024xf32, #tpu.memory_space<vmem>>, vector<16xf32>,
    %broadcast_in_dim3A_163 = arith.constant 0.000000e+00 : f32
    %broadcast_in_dim3A_164 = vector.broadcast %broadcast_in_dim3A_163 : f32 to vector<16xf32>
    %swap3A_165 = arith.constant 48 : index
    %swap3A_166 = tpu.vector_load %arg8[%swap3A_165] {strides = array<i32>} : memref<1024xf32, #tpu.memory_space<vmem>>, vector<16xf32>,
    tpu.vector_store %arg8[%swap3A_165], %broadcast_in_dim3A_164 {strides = array<i32>} : memref<1024xf32, #tpu.memory_space<vmem>>, vector<16xf32>,
    %broadcast_in_dim3A_167 = arith.constant 0.000000e+00 : f32
    %broadcast_in_dim3A_168 = vector.broadcast %broadcast_in_dim3A_167 : f32 to vector<16xf32>
    %swap3A_169 = arith.constant 64 : index
    %swap3A_170 = tpu.vector_load %arg8[%swap3A_169] {strides = array<i32>} : memref<1024xf32, #tpu.memory_space<vmem>>, vector<16xf32>,
    tpu.vector_store %arg8[%swap3A_169], %broadcast_in_dim3A_168 {strides = array<i32>} : memref<1024xf32, #tpu.memory_space<vmem>>, vector<16xf32>,
    %broadcast_in_dim3A_171 = arith.constant 0.000000e+00 : f32
    %broadcast_in_dim3A_172 = vector.broadcast %broadcast_in_dim3A_171 : f32 to vector<16xf32>
    %swap3A_173 = arith.constant 80 : index
    %swap3A_174 = tpu.vector_load %arg8[%swap3A_173] {strides = array<i32>} : memref<1024xf32, #tpu.memory_space<vmem>>, vector<16xf32>,
    tpu.vector_store %arg8[%swap3A_173], %broadcast_in_dim3A_172 {strides = array<i32>} : memref<1024xf32, #tpu.memory_space<vmem>>, vector<16xf32>,
    %broadcast_in_dim3A_175 = arith.constant 0.000000e+00 : f32
    %broadcast_in_dim3A_176 = vector.broadcast %broadcast_in_dim3A_175 : f32 to vector<16xf32>
    %swap3A_177 = arith.constant 96 : index
    %swap3A_178 = tpu.vector_load %arg8[%swap3A_177] {strides = array<i32>} : memref<1024xf32, #tpu.memory_space<vmem>>, vector<16xf32>,
    tpu.vector_store %arg8[%swap3A_177], %broadcast_in_dim3A_176 {strides = array<i32>} : memref<1024xf32, #tpu.memory_space<vmem>>, vector<16xf32>,
    %broadcast_in_dim3A_179 = arith.constant 0.000000e+00 : f32
    %broadcast_in_dim3A_180 = vector.broadcast %broadcast_in_dim3A_179 : f32 to vector<16xf32>
    %swap3A_181 = arith.constant 112 : index
    %swap3A_182 = tpu.vector_load %arg8[%swap3A_181] {strides = array<i32>} : memref<1024xf32, #tpu.memory_space<vmem>>, vector<16xf32>,
    tpu.vector_store %arg8[%swap3A_181], %broadcast_in_dim3A_180 {strides = array<i32>} : memref<1024xf32, #tpu.memory_space<vmem>>, vector<16xf32>,
    %broadcast_in_dim3A_183 = arith.constant 0.000000e+00 : f32
    %broadcast_in_dim3A_184 = vector.broadcast %broadcast_in_dim3A_183 : f32 to vector<16xf32>
    %swap3A_185 = arith.constant 128 : index
    %swap3A_186 = tpu.vector_load %arg8[%swap3A_185] {strides = array<i32>} : memref<1024xf32, #tpu.memory_space<vmem>>, vector<16xf32>,
    tpu.vector_store %arg8[%swap3A_185], %broadcast_in_dim3A_184 {strides = array<i32>} : memref<1024xf32, #tpu.memory_space<vmem>>, vector<16xf32>,
    %broadcast_in_dim3A_187 = arith.constant 0.000000e+00 : f32
    %broadcast_in_dim3A_188 = vector.broadcast %broadcast_in_dim3A_187 : f32 to vector<16xf32>
    %swap3A_189 = arith.constant 144 : index
    %swap3A_190 = tpu.vector_load %arg8[%swap3A_189] {strides = array<i32>} : memref<1024xf32, #tpu.memory_space<vmem>>, vector<16xf32>,
    tpu.vector_store %arg8[%swap3A_189], %broadcast_in_dim3A_188 {strides = array<i32>} : memref<1024xf32, #tpu.memory_space<vmem>>, vector<16xf32>,
    %broadcast_in_dim3A_191 = arith.constant 0.000000e+00 : f32
    %broadcast_in_dim3A_192 = vector.broadcast %broadcast_in_dim3A_191 : f32 to vector<16xf32>
    %swap3A_193 = arith.constant 160 : index
    %swap3A_194 = tpu.vector_load %arg8[%swap3A_193] {strides = array<i32>} : memref<1024xf32, #tpu.memory_space<vmem>>, vector<16xf32>,
    tpu.vector_store %arg8[%swap3A_193], %broadcast_in_dim3A_192 {strides = array<i32>} : memref<1024xf32, #tpu.memory_space<vmem>>, vector<16xf32>,
    %broadcast_in_dim3A_195 = arith.constant 0.000000e+00 : f32
    %broadcast_in_dim3A_196 = vector.broadcast %broadcast_in_dim3A_195 : f32 to vector<16xf32>
    %swap3A_197 = arith.constant 176 : index
    %swap3A_198 = tpu.vector_load %arg8[%swap3A_197] {strides = array<i32>} : memref<1024xf32, #tpu.memory_space<vmem>>, vector<16xf32>,
    tpu.vector_store %arg8[%swap3A_197], %broadcast_in_dim3A_196 {strides = array<i32>} : memref<1024xf32, #tpu.memory_space<vmem>>, vector<16xf32>,
    %broadcast_in_dim3A_199 = arith.constant 0.000000e+00 : f32
    %broadcast_in_dim3A_200 = vector.broadcast %broadcast_in_dim3A_199 : f32 to vector<16xf32>
    %swap3A_201 = arith.constant 192 : index
    %swap3A_202 = tpu.vector_load %arg8[%swap3A_201] {strides = array<i32>} : memref<1024xf32, #tpu.memory_space<vmem>>, vector<16xf32>,
    tpu.vector_store %arg8[%swap3A_201], %broadcast_in_dim3A_200 {strides = array<i32>} : memref<1024xf32, #tpu.memory_space<vmem>>, vector<16xf32>,
    %broadcast_in_dim3A_203 = arith.constant 0.000000e+00 : f32
    %broadcast_in_dim3A_204 = vector.broadcast %broadcast_in_dim3A_203 : f32 to vector<16xf32>
    %swap3A_205 = arith.constant 208 : index
    %swap3A_206 = tpu.vector_load %arg8[%swap3A_205] {strides = array<i32>} : memref<1024xf32, #tpu.memory_space<vmem>>, vector<16xf32>,
    tpu.vector_store %arg8[%swap3A_205], %broadcast_in_dim3A_204 {strides = array<i32>} : memref<1024xf32, #tpu.memory_space<vmem>>, vector<16xf32>,
    %broadcast_in_dim3A_207 = arith.constant 0.000000e+00 : f32
    %broadcast_in_dim3A_208 = vector.broadcast %broadcast_in_dim3A_207 : f32 to vector<16xf32>
    %swap3A_209 = arith.constant 224 : index
    %swap3A_210 = tpu.vector_load %arg8[%swap3A_209] {strides = array<i32>} : memref<1024xf32, #tpu.memory_space<vmem>>, vector<16xf32>,
    tpu.vector_store %arg8[%swap3A_209], %broadcast_in_dim3A_208 {strides = array<i32>} : memref<1024xf32, #tpu.memory_space<vmem>>, vector<16xf32>,
    %broadcast_in_dim3A_211 = arith.constant 0.000000e+00 : f32
    %broadcast_in_dim3A_212 = vector.broadcast %broadcast_in_dim3A_211 : f32 to vector<16xf32>
    %swap3A_213 = arith.constant 240 : index
    %swap3A_214 = tpu.vector_load %arg8[%swap3A_213] {strides = array<i32>} : memref<1024xf32, #tpu.memory_space<vmem>>, vector<16xf32>,
    tpu.vector_store %arg8[%swap3A_213], %broadcast_in_dim3A_212 {strides = array<i32>} : memref<1024xf32, #tpu.memory_space<vmem>>, vector<16xf32>,
    %broadcast_in_dim3A_215 = arith.constant 0.000000e+00 : f32
    %broadcast_in_dim3A_216 = vector.broadcast %broadcast_in_dim3A_215 : f32 to vector<16xf32>
    %swap3A_217 = arith.constant 256 : index
    %swap3A_218 = tpu.vector_load %arg8[%swap3A_217] {strides = array<i32>} : memref<1024xf32, #tpu.memory_space<vmem>>, vector<16xf32>,
    tpu.vector_store %arg8[%swap3A_217], %broadcast_in_dim3A_216 {strides = array<i32>} : memref<1024xf32, #tpu.memory_space<vmem>>, vector<16xf32>,
    %broadcast_in_dim3A_219 = arith.constant 0.000000e+00 : f32
    %broadcast_in_dim3A_220 = vector.broadcast %broadcast_in_dim3A_219 : f32 to vector<16xf32>
    %swap3A_221 = arith.constant 272 : index
    %swap3A_222 = tpu.vector_load %arg8[%swap3A_221] {strides = array<i32>} : memref<1024xf32, #tpu.memory_space<vmem>>, vector<16xf32>,
    tpu.vector_store %arg8[%swap3A_221], %broadcast_in_dim3A_220 {strides = array<i32>} : memref<1024xf32, #tpu.memory_space<vmem>>, vector<16xf32>,
    %broadcast_in_dim3A_223 = arith.constant 0.000000e+00 : f32
    %broadcast_in_dim3A_224 = vector.broadcast %broadcast_in_dim3A_223 : f32 to vector<16xf32>
    %swap3A_225 = arith.constant 288 : index
    %swap3A_226 = tpu.vector_load %arg8[%swap3A_225] {strides = array<i32>} : memref<1024xf32, #tpu.memory_space<vmem>>, vector<16xf32>,
    tpu.vector_store %arg8[%swap3A_225], %broadcast_in_dim3A_224 {strides = array<i32>} : memref<1024xf32, #tpu.memory_space<vmem>>, vector<16xf32>,
    %broadcast_in_dim3A_227 = arith.constant 0.000000e+00 : f32
    %broadcast_in_dim3A_228 = vector.broadcast %broadcast_in_dim3A_227 : f32 to vector<16xf32>
    %swap3A_229 = arith.constant 304 : index
    %swap3A_230 = tpu.vector_load %arg8[%swap3A_229] {strides = array<i32>} : memref<1024xf32, #tpu.memory_space<vmem>>, vector<16xf32>,
    tpu.vector_store %arg8[%swap3A_229], %broadcast_in_dim3A_228 {strides = array<i32>} : memref<1024xf32, #tpu.memory_space<vmem>>, vector<16xf32>,
    %broadcast_in_dim3A_231 = arith.constant 0.000000e+00 : f32
    %broadcast_in_dim3A_232 = vector.broadcast %broadcast_in_dim3A_231 : f32 to vector<16xf32>
    %swap3A_233 = arith.constant 320 : index
    %swap3A_234 = tpu.vector_load %arg8[%swap3A_233] {strides = array<i32>} : memref<1024xf32, #tpu.memory_space<vmem>>, vector<16xf32>,
    tpu.vector_store %arg8[%swap3A_233], %broadcast_in_dim3A_232 {strides = array<i32>} : memref<1024xf32, #tpu.memory_space<vmem>>, vector<16xf32>,
    %broadcast_in_dim3A_235 = arith.constant 0.000000e+00 : f32
    %broadcast_in_dim3A_236 = vector.broadcast %broadcast_in_dim3A_235 : f32 to vector<16xf32>
    %swap3A_237 = arith.constant 336 : index
    %swap3A_238 = tpu.vector_load %arg8[%swap3A_237] {strides = array<i32>} : memref<1024xf32, #tpu.memory_space<vmem>>, vector<16xf32>,
    tpu.vector_store %arg8[%swap3A_237], %broadcast_in_dim3A_236 {strides = array<i32>} : memref<1024xf32, #tpu.memory_space<vmem>>, vector<16xf32>,
    %broadcast_in_dim3A_239 = arith.constant 0.000000e+00 : f32
    %broadcast_in_dim3A_240 = vector.broadcast %broadcast_in_dim3A_239 : f32 to vector<16xf32>
    %swap3A_241 = arith.constant 352 : index
    %swap3A_242 = tpu.vector_load %arg8[%swap3A_241] {strides = array<i32>} : memref<1024xf32, #tpu.memory_space<vmem>>, vector<16xf32>,
    tpu.vector_store %arg8[%swap3A_241], %broadcast_in_dim3A_240 {strides = array<i32>} : memref<1024xf32, #tpu.memory_space<vmem>>, vector<16xf32>,
    %broadcast_in_dim3A_243 = arith.constant 0.000000e+00 : f32
    %broadcast_in_dim3A_244 = vector.broadcast %broadcast_in_dim3A_243 : f32 to vector<16xf32>
    %swap3A_245 = arith.constant 368 : index
    %swap3A_246 = tpu.vector_load %arg8[%swap3A_245] {strides = array<i32>} : memref<1024xf32, #tpu.memory_space<vmem>>, vector<16xf32>,
    tpu.vector_store %arg8[%swap3A_245], %broadcast_in_dim3A_244 {strides = array<i32>} : memref<1024xf32, #tpu.memory_space<vmem>>, vector<16xf32>,
    %broadcast_in_dim3A_247 = arith.constant 0.000000e+00 : f32
    %broadcast_in_dim3A_248 = vector.broadcast %broadcast_in_dim3A_247 : f32 to vector<16xf32>
    %swap3A_249 = arith.constant 384 : index
    %swap3A_250 = tpu.vector_load %arg8[%swap3A_249] {strides = array<i32>} : memref<1024xf32, #tpu.memory_space<vmem>>, vector<16xf32>,
    tpu.vector_store %arg8[%swap3A_249], %broadcast_in_dim3A_248 {strides = array<i32>} : memref<1024xf32, #tpu.memory_space<vmem>>, vector<16xf32>,
    %broadcast_in_dim3A_251 = arith.constant 0.000000e+00 : f32
    %broadcast_in_dim3A_252 = vector.broadcast %broadcast_in_dim3A_251 : f32 to vector<16xf32>
    %swap3A_253 = arith.constant 400 : index
    %swap3A_254 = tpu.vector_load %arg8[%swap3A_253] {strides = array<i32>} : memref<1024xf32, #tpu.memory_space<vmem>>, vector<16xf32>,
    tpu.vector_store %arg8[%swap3A_253], %broadcast_in_dim3A_252 {strides = array<i32>} : memref<1024xf32, #tpu.memory_space<vmem>>, vector<16xf32>,
    %broadcast_in_dim3A_255 = arith.constant 0.000000e+00 : f32
    %broadcast_in_dim3A_256 = vector.broadcast %broadcast_in_dim3A_255 : f32 to vector<16xf32>
    %swap3A_257 = arith.constant 416 : index
    %swap3A_258 = tpu.vector_load %arg8[%swap3A_257] {strides = array<i32>} : memref<1024xf32, #tpu.memory_space<vmem>>, vector<16xf32>,
    tpu.vector_store %arg8[%swap3A_257], %broadcast_in_dim3A_256 {strides = array<i32>} : memref<1024xf32, #tpu.memory_space<vmem>>, vector<16xf32>,
    %broadcast_in_dim3A_259 = arith.constant 0.000000e+00 : f32
    %broadcast_in_dim3A_260 = vector.broadcast %broadcast_in_dim3A_259 : f32 to vector<16xf32>
    %swap3A_261 = arith.constant 432 : index
    %swap3A_262 = tpu.vector_load %arg8[%swap3A_261] {strides = array<i32>} : memref<1024xf32, #tpu.memory_space<vmem>>, vector<16xf32>,
    tpu.vector_store %arg8[%swap3A_261], %broadcast_in_dim3A_260 {strides = array<i32>} : memref<1024xf32, #tpu.memory_space<vmem>>, vector<16xf32>,
    %broadcast_in_dim3A_263 = arith.constant 0.000000e+00 : f32
    %broadcast_in_dim3A_264 = vector.broadcast %broadcast_in_dim3A_263 : f32 to vector<16xf32>
    %swap3A_265 = arith.constant 448 : index
    %swap3A_266 = tpu.vector_load %arg8[%swap3A_265] {strides = array<i32>} : memref<1024xf32, #tpu.memory_space<vmem>>, vector<16xf32>,
    tpu.vector_store %arg8[%swap3A_265], %broadcast_in_dim3A_264 {strides = array<i32>} : memref<1024xf32, #tpu.memory_space<vmem>>, vector<16xf32>,
    %broadcast_in_dim3A_267 = arith.constant 0.000000e+00 : f32
    %broadcast_in_dim3A_268 = vector.broadcast %broadcast_in_dim3A_267 : f32 to vector<16xf32>
    %swap3A_269 = arith.constant 464 : index
    %swap3A_270 = tpu.vector_load %arg8[%swap3A_269] {strides = array<i32>} : memref<1024xf32, #tpu.memory_space<vmem>>, vector<16xf32>,
    tpu.vector_store %arg8[%swap3A_269], %broadcast_in_dim3A_268 {strides = array<i32>} : memref<1024xf32, #tpu.memory_space<vmem>>, vector<16xf32>,
    %broadcast_in_dim3A_271 = arith.constant 0.000000e+00 : f32
    %broadcast_in_dim3A_272 = vector.broadcast %broadcast_in_dim3A_271 : f32 to vector<16xf32>
    %swap3A_273 = arith.constant 480 : index
    %swap3A_274 = tpu.vector_load %arg8[%swap3A_273] {strides = array<i32>} : memref<1024xf32, #tpu.memory_space<vmem>>, vector<16xf32>,
    tpu.vector_store %arg8[%swap3A_273], %broadcast_in_dim3A_272 {strides = array<i32>} : memref<1024xf32, #tpu.memory_space<vmem>>, vector<16xf32>,
    %broadcast_in_dim3A_275 = arith.constant 0.000000e+00 : f32
    %broadcast_in_dim3A_276 = vector.broadcast %broadcast_in_dim3A_275 : f32 to vector<16xf32>
    %swap3A_277 = arith.constant 496 : index
    %swap3A_278 = tpu.vector_load %arg8[%swap3A_277] {strides = array<i32>} : memref<1024xf32, #tpu.memory_space<vmem>>, vector<16xf32>,
    tpu.vector_store %arg8[%swap3A_277], %broadcast_in_dim3A_276 {strides = array<i32>} : memref<1024xf32, #tpu.memory_space<vmem>>, vector<16xf32>,
    %broadcast_in_dim3A_279 = arith.constant 0.000000e+00 : f32
    %broadcast_in_dim3A_280 = vector.broadcast %broadcast_in_dim3A_279 : f32 to vector<16xf32>
    %swap3A_281 = arith.constant 512 : index
    %swap3A_282 = tpu.vector_load %arg8[%swap3A_281] {strides = array<i32>} : memref<1024xf32, #tpu.memory_space<vmem>>, vector<16xf32>,
    tpu.vector_store %arg8[%swap3A_281], %broadcast_in_dim3A_280 {strides = array<i32>} : memref<1024xf32, #tpu.memory_space<vmem>>, vector<16xf32>,
    %broadcast_in_dim3A_283 = arith.constant 0.000000e+00 : f32
    %broadcast_in_dim3A_284 = vector.broadcast %broadcast_in_dim3A_283 : f32 to vector<16xf32>
    %swap3A_285 = arith.constant 528 : index
    %swap3A_286 = tpu.vector_load %arg8[%swap3A_285] {strides = array<i32>} : memref<1024xf32, #tpu.memory_space<vmem>>, vector<16xf32>,
    tpu.vector_store %arg8[%swap3A_285], %broadcast_in_dim3A_284 {strides = array<i32>} : memref<1024xf32, #tpu.memory_space<vmem>>, vector<16xf32>,
    %broadcast_in_dim3A_287 = arith.constant 0.000000e+00 : f32
    %broadcast_in_dim3A_288 = vector.broadcast %broadcast_in_dim3A_287 : f32 to vector<16xf32>
    %swap3A_289 = arith.constant 544 : index
    %swap3A_290 = tpu.vector_load %arg8[%swap3A_289] {strides = array<i32>} : memref<1024xf32, #tpu.memory_space<vmem>>, vector<16xf32>,
    tpu.vector_store %arg8[%swap3A_289], %broadcast_in_dim3A_288 {strides = array<i32>} : memref<1024xf32, #tpu.memory_space<vmem>>, vector<16xf32>,
    %broadcast_in_dim3A_291 = arith.constant 0.000000e+00 : f32
    %broadcast_in_dim3A_292 = vector.broadcast %broadcast_in_dim3A_291 : f32 to vector<16xf32>
    %swap3A_293 = arith.constant 560 : index
    %swap3A_294 = tpu.vector_load %arg8[%swap3A_293] {strides = array<i32>} : memref<1024xf32, #tpu.memory_space<vmem>>, vector<16xf32>,
    tpu.vector_store %arg8[%swap3A_293], %broadcast_in_dim3A_292 {strides = array<i32>} : memref<1024xf32, #tpu.memory_space<vmem>>, vector<16xf32>,
    %broadcast_in_dim3A_295 = arith.constant 0.000000e+00 : f32
    %broadcast_in_dim3A_296 = vector.broadcast %broadcast_in_dim3A_295 : f32 to vector<16xf32>
    %swap3A_297 = arith.constant 576 : index
    %swap3A_298 = tpu.vector_load %arg8[%swap3A_297] {strides = array<i32>} : memref<1024xf32, #tpu.memory_space<vmem>>, vector<16xf32>,
    tpu.vector_store %arg8[%swap3A_297], %broadcast_in_dim3A_296 {strides = array<i32>} : memref<1024xf32, #tpu.memory_space<vmem>>, vector<16xf32>,
    %broadcast_in_dim3A_299 = arith.constant 0.000000e+00 : f32
    %broadcast_in_dim3A_300 = vector.broadcast %broadcast_in_dim3A_299 : f32 to vector<16xf32>
    %swap3A_301 = arith.constant 592 : index
    %swap3A_302 = tpu.vector_load %arg8[%swap3A_301] {strides = array<i32>} : memref<1024xf32, #tpu.memory_space<vmem>>, vector<16xf32>,
    tpu.vector_store %arg8[%swap3A_301], %broadcast_in_dim3A_300 {strides = array<i32>} : memref<1024xf32, #tpu.memory_space<vmem>>, vector<16xf32>,
    %broadcast_in_dim3A_303 = arith.constant 0.000000e+00 : f32
    %broadcast_in_dim3A_304 = vector.broadcast %broadcast_in_dim3A_303 : f32 to vector<16xf32>
    %swap3A_305 = arith.constant 608 : index
    %swap3A_306 = tpu.vector_load %arg8[%swap3A_305] {strides = array<i32>} : memref<1024xf32, #tpu.memory_space<vmem>>, vector<16xf32>,
    tpu.vector_store %arg8[%swap3A_305], %broadcast_in_dim3A_304 {strides = array<i32>} : memref<1024xf32, #tpu.memory_space<vmem>>, vector<16xf32>,
    %broadcast_in_dim3A_307 = arith.constant 0.000000e+00 : f32
    %broadcast_in_dim3A_308 = vector.broadcast %broadcast_in_dim3A_307 : f32 to vector<16xf32>
    %swap3A_309 = arith.constant 624 : index
    %swap3A_310 = tpu.vector_load %arg8[%swap3A_309] {strides = array<i32>} : memref<1024xf32, #tpu.memory_space<vmem>>, vector<16xf32>,
    tpu.vector_store %arg8[%swap3A_309], %broadcast_in_dim3A_308 {strides = array<i32>} : memref<1024xf32, #tpu.memory_space<vmem>>, vector<16xf32>,
    %broadcast_in_dim3A_311 = arith.constant 0.000000e+00 : f32
    %broadcast_in_dim3A_312 = vector.broadcast %broadcast_in_dim3A_311 : f32 to vector<16xf32>
    %swap3A_313 = arith.constant 640 : index
    %swap3A_314 = tpu.vector_load %arg8[%swap3A_313] {strides = array<i32>} : memref<1024xf32, #tpu.memory_space<vmem>>, vector<16xf32>,
    tpu.vector_store %arg8[%swap3A_313], %broadcast_in_dim3A_312 {strides = array<i32>} : memref<1024xf32, #tpu.memory_space<vmem>>, vector<16xf32>,
    %broadcast_in_dim3A_315 = arith.constant 0.000000e+00 : f32
    %broadcast_in_dim3A_316 = vector.broadcast %broadcast_in_dim3A_315 : f32 to vector<16xf32>
    %swap3A_317 = arith.constant 656 : index
    %swap3A_318 = tpu.vector_load %arg8[%swap3A_317] {strides = array<i32>} : memref<1024xf32, #tpu.memory_space<vmem>>, vector<16xf32>,
    tpu.vector_store %arg8[%swap3A_317], %broadcast_in_dim3A_316 {strides = array<i32>} : memref<1024xf32, #tpu.memory_space<vmem>>, vector<16xf32>,
    %broadcast_in_dim3A_319 = arith.constant 0.000000e+00 : f32
    %broadcast_in_dim3A_320 = vector.broadcast %broadcast_in_dim3A_319 : f32 to vector<16xf32>
    %swap3A_321 = arith.constant 672 : index
    %swap3A_322 = tpu.vector_load %arg8[%swap3A_321] {strides = array<i32>} : memref<1024xf32, #tpu.memory_space<vmem>>, vector<16xf32>,
    tpu.vector_store %arg8[%swap3A_321], %broadcast_in_dim3A_320 {strides = array<i32>} : memref<1024xf32, #tpu.memory_space<vmem>>, vector<16xf32>,
    %broadcast_in_dim3A_323 = arith.constant 0.000000e+00 : f32
    %broadcast_in_dim3A_324 = vector.broadcast %broadcast_in_dim3A_323 : f32 to vector<16xf32>
    %swap3A_325 = arith.constant 688 : index
    %swap3A_326 = tpu.vector_load %arg8[%swap3A_325] {strides = array<i32>} : memref<1024xf32, #tpu.memory_space<vmem>>, vector<16xf32>,
    tpu.vector_store %arg8[%swap3A_325], %broadcast_in_dim3A_324 {strides = array<i32>} : memref<1024xf32, #tpu.memory_space<vmem>>, vector<16xf32>,
    %broadcast_in_dim3A_327 = arith.constant 0.000000e+00 : f32
    %broadcast_in_dim3A_328 = vector.broadcast %broadcast_in_dim3A_327 : f32 to vector<16xf32>
    %swap3A_329 = arith.constant 704 : index
    %swap3A_330 = tpu.vector_load %arg8[%swap3A_329] {strides = array<i32>} : memref<1024xf32, #tpu.memory_space<vmem>>, vector<16xf32>,
    tpu.vector_store %arg8[%swap3A_329], %broadcast_in_dim3A_328 {strides = array<i32>} : memref<1024xf32, #tpu.memory_space<vmem>>, vector<16xf32>,
    %broadcast_in_dim3A_331 = arith.constant 0.000000e+00 : f32
    %broadcast_in_dim3A_332 = vector.broadcast %broadcast_in_dim3A_331 : f32 to vector<16xf32>
    %swap3A_333 = arith.constant 720 : index
    %swap3A_334 = tpu.vector_load %arg8[%swap3A_333] {strides = array<i32>} : memref<1024xf32, #tpu.memory_space<vmem>>, vector<16xf32>,
    tpu.vector_store %arg8[%swap3A_333], %broadcast_in_dim3A_332 {strides = array<i32>} : memref<1024xf32, #tpu.memory_space<vmem>>, vector<16xf32>,
    %broadcast_in_dim3A_335 = arith.constant 0.000000e+00 : f32
    %broadcast_in_dim3A_336 = vector.broadcast %broadcast_in_dim3A_335 : f32 to vector<16xf32>
    %swap3A_337 = arith.constant 736 : index
    %swap3A_338 = tpu.vector_load %arg8[%swap3A_337] {strides = array<i32>} : memref<1024xf32, #tpu.memory_space<vmem>>, vector<16xf32>,
    tpu.vector_store %arg8[%swap3A_337], %broadcast_in_dim3A_336 {strides = array<i32>} : memref<1024xf32, #tpu.memory_space<vmem>>, vector<16xf32>,
    %broadcast_in_dim3A_339 = arith.constant 0.000000e+00 : f32
    %broadcast_in_dim3A_340 = vector.broadcast %broadcast_in_dim3A_339 : f32 to vector<16xf32>
    %swap3A_341 = arith.constant 752 : index
    %swap3A_342 = tpu.vector_load %arg8[%swap3A_341] {strides = array<i32>} : memref<1024xf32, #tpu.memory_space<vmem>>, vector<16xf32>,
    tpu.vector_store %arg8[%swap3A_341], %broadcast_in_dim3A_340 {strides = array<i32>} : memref<1024xf32, #tpu.memory_space<vmem>>, vector<16xf32>,
    %broadcast_in_dim3A_343 = arith.constant 0.000000e+00 : f32
    %broadcast_in_dim3A_344 = vector.broadcast %broadcast_in_dim3A_343 : f32 to vector<16xf32>
    %swap3A_345 = arith.constant 768 : index
    %swap3A_346 = tpu.vector_load %arg8[%swap3A_345] {strides = array<i32>} : memref<1024xf32, #tpu.memory_space<vmem>>, vector<16xf32>,
    tpu.vector_store %arg8[%swap3A_345], %broadcast_in_dim3A_344 {strides = array<i32>} : memref<1024xf32, #tpu.memory_space<vmem>>, vector<16xf32>,
    %broadcast_in_dim3A_347 = arith.constant 0.000000e+00 : f32
    %broadcast_in_dim3A_348 = vector.broadcast %broadcast_in_dim3A_347 : f32 to vector<16xf32>
    %swap3A_349 = arith.constant 784 : index
    %swap3A_350 = tpu.vector_load %arg8[%swap3A_349] {strides = array<i32>} : memref<1024xf32, #tpu.memory_space<vmem>>, vector<16xf32>,
    tpu.vector_store %arg8[%swap3A_349], %broadcast_in_dim3A_348 {strides = array<i32>} : memref<1024xf32, #tpu.memory_space<vmem>>, vector<16xf32>,
    %broadcast_in_dim3A_351 = arith.constant 0.000000e+00 : f32
    %broadcast_in_dim3A_352 = vector.broadcast %broadcast_in_dim3A_351 : f32 to vector<16xf32>
    %swap3A_353 = arith.constant 800 : index
    %swap3A_354 = tpu.vector_load %arg8[%swap3A_353] {strides = array<i32>} : memref<1024xf32, #tpu.memory_space<vmem>>, vector<16xf32>,
    tpu.vector_store %arg8[%swap3A_353], %broadcast_in_dim3A_352 {strides = array<i32>} : memref<1024xf32, #tpu.memory_space<vmem>>, vector<16xf32>,
    %broadcast_in_dim3A_355 = arith.constant 0.000000e+00 : f32
    %broadcast_in_dim3A_356 = vector.broadcast %broadcast_in_dim3A_355 : f32 to vector<16xf32>
    %swap3A_357 = arith.constant 816 : index
    %swap3A_358 = tpu.vector_load %arg8[%swap3A_357] {strides = array<i32>} : memref<1024xf32, #tpu.memory_space<vmem>>, vector<16xf32>,
    tpu.vector_store %arg8[%swap3A_357], %broadcast_in_dim3A_356 {strides = array<i32>} : memref<1024xf32, #tpu.memory_space<vmem>>, vector<16xf32>,
    %broadcast_in_dim3A_359 = arith.constant 0.000000e+00 : f32
    %broadcast_in_dim3A_360 = vector.broadcast %broadcast_in_dim3A_359 : f32 to vector<16xf32>
    %swap3A_361 = arith.constant 832 : index
    %swap3A_362 = tpu.vector_load %arg8[%swap3A_361] {strides = array<i32>} : memref<1024xf32, #tpu.memory_space<vmem>>, vector<16xf32>,
    tpu.vector_store %arg8[%swap3A_361], %broadcast_in_dim3A_360 {strides = array<i32>} : memref<1024xf32, #tpu.memory_space<vmem>>, vector<16xf32>,
    %broadcast_in_dim3A_363 = arith.constant 0.000000e+00 : f32
    %broadcast_in_dim3A_364 = vector.broadcast %broadcast_in_dim3A_363 : f32 to vector<16xf32>
    %swap3A_365 = arith.constant 848 : index
    %swap3A_366 = tpu.vector_load %arg8[%swap3A_365] {strides = array<i32>} : memref<1024xf32, #tpu.memory_space<vmem>>, vector<16xf32>,
    tpu.vector_store %arg8[%swap3A_365], %broadcast_in_dim3A_364 {strides = array<i32>} : memref<1024xf32, #tpu.memory_space<vmem>>, vector<16xf32>,
    %broadcast_in_dim3A_367 = arith.constant 0.000000e+00 : f32
    %broadcast_in_dim3A_368 = vector.broadcast %broadcast_in_dim3A_367 : f32 to vector<16xf32>
    %swap3A_369 = arith.constant 864 : index
    %swap3A_370 = tpu.vector_load %arg8[%swap3A_369] {strides = array<i32>} : memref<1024xf32, #tpu.memory_space<vmem>>, vector<16xf32>,
    tpu.vector_store %arg8[%swap3A_369], %broadcast_in_dim3A_368 {strides = array<i32>} : memref<1024xf32, #tpu.memory_space<vmem>>, vector<16xf32>,
    %broadcast_in_dim3A_371 = arith.constant 0.000000e+00 : f32
    %broadcast_in_dim3A_372 = vector.broadcast %broadcast_in_dim3A_371 : f32 to vector<16xf32>
    %swap3A_373 = arith.constant 880 : index
    %swap3A_374 = tpu.vector_load %arg8[%swap3A_373] {strides = array<i32>} : memref<1024xf32, #tpu.memory_space<vmem>>, vector<16xf32>,
    tpu.vector_store %arg8[%swap3A_373], %broadcast_in_dim3A_372 {strides = array<i32>} : memref<1024xf32, #tpu.memory_space<vmem>>, vector<16xf32>,
    %broadcast_in_dim3A_375 = arith.constant 0.000000e+00 : f32
    %broadcast_in_dim3A_376 = vector.broadcast %broadcast_in_dim3A_375 : f32 to vector<16xf32>
    %swap3A_377 = arith.constant 896 : index
    %swap3A_378 = tpu.vector_load %arg8[%swap3A_377] {strides = array<i32>} : memref<1024xf32, #tpu.memory_space<vmem>>, vector<16xf32>,
    tpu.vector_store %arg8[%swap3A_377], %broadcast_in_dim3A_376 {strides = array<i32>} : memref<1024xf32, #tpu.memory_space<vmem>>, vector<16xf32>,
    %broadcast_in_dim3A_379 = arith.constant 0.000000e+00 : f32
    %broadcast_in_dim3A_380 = vector.broadcast %broadcast_in_dim3A_379 : f32 to vector<16xf32>
    %swap3A_381 = arith.constant 912 : index
    %swap3A_382 = tpu.vector_load %arg8[%swap3A_381] {strides = array<i32>} : memref<1024xf32, #tpu.memory_space<vmem>>, vector<16xf32>,
    tpu.vector_store %arg8[%swap3A_381], %broadcast_in_dim3A_380 {strides = array<i32>} : memref<1024xf32, #tpu.memory_space<vmem>>, vector<16xf32>,
    %broadcast_in_dim3A_383 = arith.constant 0.000000e+00 : f32
    %broadcast_in_dim3A_384 = vector.broadcast %broadcast_in_dim3A_383 : f32 to vector<16xf32>
    %swap3A_385 = arith.constant 928 : index
    %swap3A_386 = tpu.vector_load %arg8[%swap3A_385] {strides = array<i32>} : memref<1024xf32, #tpu.memory_space<vmem>>, vector<16xf32>,
    tpu.vector_store %arg8[%swap3A_385], %broadcast_in_dim3A_384 {strides = array<i32>} : memref<1024xf32, #tpu.memory_space<vmem>>, vector<16xf32>,
    %broadcast_in_dim3A_387 = arith.constant 0.000000e+00 : f32
    %broadcast_in_dim3A_388 = vector.broadcast %broadcast_in_dim3A_387 : f32 to vector<16xf32>
    %swap3A_389 = arith.constant 944 : index
    %swap3A_390 = tpu.vector_load %arg8[%swap3A_389] {strides = array<i32>} : memref<1024xf32, #tpu.memory_space<vmem>>, vector<16xf32>,
    tpu.vector_store %arg8[%swap3A_389], %broadcast_in_dim3A_388 {strides = array<i32>} : memref<1024xf32, #tpu.memory_space<vmem>>, vector<16xf32>,
    %broadcast_in_dim3A_391 = arith.constant 0.000000e+00 : f32
    %broadcast_in_dim3A_392 = vector.broadcast %broadcast_in_dim3A_391 : f32 to vector<16xf32>
    %swap3A_393 = arith.constant 960 : index
    %swap3A_394 = tpu.vector_load %arg8[%swap3A_393] {strides = array<i32>} : memref<1024xf32, #tpu.memory_space<vmem>>, vector<16xf32>,
    tpu.vector_store %arg8[%swap3A_393], %broadcast_in_dim3A_392 {strides = array<i32>} : memref<1024xf32, #tpu.memory_space<vmem>>, vector<16xf32>,
    %broadcast_in_dim3A_395 = arith.constant 0.000000e+00 : f32
    %broadcast_in_dim3A_396 = vector.broadcast %broadcast_in_dim3A_395 : f32 to vector<16xf32>
    %swap3A_397 = arith.constant 976 : index
    %swap3A_398 = tpu.vector_load %arg8[%swap3A_397] {strides = array<i32>} : memref<1024xf32, #tpu.memory_space<vmem>>, vector<16xf32>,
    tpu.vector_store %arg8[%swap3A_397], %broadcast_in_dim3A_396 {strides = array<i32>} : memref<1024xf32, #tpu.memory_space<vmem>>, vector<16xf32>,
    %broadcast_in_dim3A_399 = arith.constant 0.000000e+00 : f32
    %broadcast_in_dim3A_400 = vector.broadcast %broadcast_in_dim3A_399 : f32 to vector<16xf32>
    %swap3A_401 = arith.constant 992 : index
    %swap3A_402 = tpu.vector_load %arg8[%swap3A_401] {strides = array<i32>} : memref<1024xf32, #tpu.memory_space<vmem>>, vector<16xf32>,
    tpu.vector_store %arg8[%swap3A_401], %broadcast_in_dim3A_400 {strides = array<i32>} : memref<1024xf32, #tpu.memory_space<vmem>>, vector<16xf32>,
    %broadcast_in_dim3A_403 = arith.constant 0.000000e+00 : f32
    %broadcast_in_dim3A_404 = vector.broadcast %broadcast_in_dim3A_403 : f32 to vector<16xf32>
    %swap3A_405 = arith.constant 1008 : index
    %swap3A_406 = tpu.vector_load %arg8[%swap3A_405] {strides = array<i32>} : memref<1024xf32, #tpu.memory_space<vmem>>, vector<16xf32>,
    tpu.vector_store %arg8[%swap3A_405], %broadcast_in_dim3A_404 {strides = array<i32>} : memref<1024xf32, #tpu.memory_space<vmem>>, vector<16xf32>,
    %mul3A_407 = arith.constant 1024 : i32
    %mul3A_408 = arith.muli %select_n3A_30, %mul3A_407 : i32
    %broadcast_in_dim3A_409 = vector.broadcast %mul3A_408 : i32 to vector<16xi32>
    %broadcast_in_dim3A_410 = arith.constant 1.000000e+00 : f32
    %broadcast_in_dim3A_411 = vector.broadcast %broadcast_in_dim3A_410 : f32 to vector<16xf32>
    %get3A = arith.constant 0 : index
    %get3A_412 = tpu.vector_load %arg6[%get3A] {strides = array<i32>} : memref<1152xi32, #tpu.memory_space<vmem>>, vector<16xi32>,
    %sub3A_413 = arith.subi %get3A_412, %broadcast_in_dim3A_409 : vector<16xi32>
    tpu.vector_store_idx %arg8[%sub3A_413], %broadcast_in_dim3A_411 {add = true} : memref<1024xf32, #tpu.memory_space<vmem>>[vector<16xi32>], vector<16xf32>,
    %get3A_414 = arith.constant 16 : index
    %get3A_415 = tpu.vector_load %arg6[%get3A_414] {strides = array<i32>} : memref<1152xi32, #tpu.memory_space<vmem>>, vector<16xi32>,
    %sub3A_416 = arith.subi %get3A_415, %broadcast_in_dim3A_409 : vector<16xi32>
    tpu.vector_store_idx %arg8[%sub3A_416], %broadcast_in_dim3A_411 {add = true} : memref<1024xf32, #tpu.memory_space<vmem>>[vector<16xi32>], vector<16xf32>,
    %get3A_417 = arith.constant 32 : index
    %get3A_418 = tpu.vector_load %arg6[%get3A_417] {strides = array<i32>} : memref<1152xi32, #tpu.memory_space<vmem>>, vector<16xi32>,
    %sub3A_419 = arith.subi %get3A_418, %broadcast_in_dim3A_409 : vector<16xi32>
    tpu.vector_store_idx %arg8[%sub3A_419], %broadcast_in_dim3A_411 {add = true} : memref<1024xf32, #tpu.memory_space<vmem>>[vector<16xi32>], vector<16xf32>,
    %get3A_420 = arith.constant 48 : index
    %get3A_421 = tpu.vector_load %arg6[%get3A_420] {strides = array<i32>} : memref<1152xi32, #tpu.memory_space<vmem>>, vector<16xi32>,
    %sub3A_422 = arith.subi %get3A_421, %broadcast_in_dim3A_409 : vector<16xi32>
    tpu.vector_store_idx %arg8[%sub3A_422], %broadcast_in_dim3A_411 {add = true} : memref<1024xf32, #tpu.memory_space<vmem>>[vector<16xi32>], vector<16xf32>,
    %get3A_423 = arith.constant 64 : index
    %get3A_424 = tpu.vector_load %arg6[%get3A_423] {strides = array<i32>} : memref<1152xi32, #tpu.memory_space<vmem>>, vector<16xi32>,
    %sub3A_425 = arith.subi %get3A_424, %broadcast_in_dim3A_409 : vector<16xi32>
    tpu.vector_store_idx %arg8[%sub3A_425], %broadcast_in_dim3A_411 {add = true} : memref<1024xf32, #tpu.memory_space<vmem>>[vector<16xi32>], vector<16xf32>,
    %get3A_426 = arith.constant 80 : index
    %get3A_427 = tpu.vector_load %arg6[%get3A_426] {strides = array<i32>} : memref<1152xi32, #tpu.memory_space<vmem>>, vector<16xi32>,
    %sub3A_428 = arith.subi %get3A_427, %broadcast_in_dim3A_409 : vector<16xi32>
    tpu.vector_store_idx %arg8[%sub3A_428], %broadcast_in_dim3A_411 {add = true} : memref<1024xf32, #tpu.memory_space<vmem>>[vector<16xi32>], vector<16xf32>,
    %get3A_429 = arith.constant 96 : index
    %get3A_430 = tpu.vector_load %arg6[%get3A_429] {strides = array<i32>} : memref<1152xi32, #tpu.memory_space<vmem>>, vector<16xi32>,
    %sub3A_431 = arith.subi %get3A_430, %broadcast_in_dim3A_409 : vector<16xi32>
    tpu.vector_store_idx %arg8[%sub3A_431], %broadcast_in_dim3A_411 {add = true} : memref<1024xf32, #tpu.memory_space<vmem>>[vector<16xi32>], vector<16xf32>,
    %get3A_432 = arith.constant 112 : index
    %get3A_433 = tpu.vector_load %arg6[%get3A_432] {strides = array<i32>} : memref<1152xi32, #tpu.memory_space<vmem>>, vector<16xi32>,
    %sub3A_434 = arith.subi %get3A_433, %broadcast_in_dim3A_409 : vector<16xi32>
    tpu.vector_store_idx %arg8[%sub3A_434], %broadcast_in_dim3A_411 {add = true} : memref<1024xf32, #tpu.memory_space<vmem>>[vector<16xi32>], vector<16xf32>,
    %get3A_435 = arith.constant 128 : index
    %get3A_436 = tpu.vector_load %arg6[%get3A_435] {strides = array<i32>} : memref<1152xi32, #tpu.memory_space<vmem>>, vector<16xi32>,
    %sub3A_437 = arith.subi %get3A_436, %broadcast_in_dim3A_409 : vector<16xi32>
    tpu.vector_store_idx %arg8[%sub3A_437], %broadcast_in_dim3A_411 {add = true} : memref<1024xf32, #tpu.memory_space<vmem>>[vector<16xi32>], vector<16xf32>,
    %get3A_438 = arith.constant 144 : index
    %get3A_439 = tpu.vector_load %arg6[%get3A_438] {strides = array<i32>} : memref<1152xi32, #tpu.memory_space<vmem>>, vector<16xi32>,
    %sub3A_440 = arith.subi %get3A_439, %broadcast_in_dim3A_409 : vector<16xi32>
    tpu.vector_store_idx %arg8[%sub3A_440], %broadcast_in_dim3A_411 {add = true} : memref<1024xf32, #tpu.memory_space<vmem>>[vector<16xi32>], vector<16xf32>,
    %get3A_441 = arith.constant 160 : index
    %get3A_442 = tpu.vector_load %arg6[%get3A_441] {strides = array<i32>} : memref<1152xi32, #tpu.memory_space<vmem>>, vector<16xi32>,
    %sub3A_443 = arith.subi %get3A_442, %broadcast_in_dim3A_409 : vector<16xi32>
    tpu.vector_store_idx %arg8[%sub3A_443], %broadcast_in_dim3A_411 {add = true} : memref<1024xf32, #tpu.memory_space<vmem>>[vector<16xi32>], vector<16xf32>,
    %get3A_444 = arith.constant 176 : index
    %get3A_445 = tpu.vector_load %arg6[%get3A_444] {strides = array<i32>} : memref<1152xi32, #tpu.memory_space<vmem>>, vector<16xi32>,
    %sub3A_446 = arith.subi %get3A_445, %broadcast_in_dim3A_409 : vector<16xi32>
    tpu.vector_store_idx %arg8[%sub3A_446], %broadcast_in_dim3A_411 {add = true} : memref<1024xf32, #tpu.memory_space<vmem>>[vector<16xi32>], vector<16xf32>,
    %get3A_447 = arith.constant 192 : index
    %get3A_448 = tpu.vector_load %arg6[%get3A_447] {strides = array<i32>} : memref<1152xi32, #tpu.memory_space<vmem>>, vector<16xi32>,
    %sub3A_449 = arith.subi %get3A_448, %broadcast_in_dim3A_409 : vector<16xi32>
    tpu.vector_store_idx %arg8[%sub3A_449], %broadcast_in_dim3A_411 {add = true} : memref<1024xf32, #tpu.memory_space<vmem>>[vector<16xi32>], vector<16xf32>,
    %get3A_450 = arith.constant 208 : index
    %get3A_451 = tpu.vector_load %arg6[%get3A_450] {strides = array<i32>} : memref<1152xi32, #tpu.memory_space<vmem>>, vector<16xi32>,
    %sub3A_452 = arith.subi %get3A_451, %broadcast_in_dim3A_409 : vector<16xi32>
    tpu.vector_store_idx %arg8[%sub3A_452], %broadcast_in_dim3A_411 {add = true} : memref<1024xf32, #tpu.memory_space<vmem>>[vector<16xi32>], vector<16xf32>,
    %get3A_453 = arith.constant 224 : index
    %get3A_454 = tpu.vector_load %arg6[%get3A_453] {strides = array<i32>} : memref<1152xi32, #tpu.memory_space<vmem>>, vector<16xi32>,
    %sub3A_455 = arith.subi %get3A_454, %broadcast_in_dim3A_409 : vector<16xi32>
    tpu.vector_store_idx %arg8[%sub3A_455], %broadcast_in_dim3A_411 {add = true} : memref<1024xf32, #tpu.memory_space<vmem>>[vector<16xi32>], vector<16xf32>,
    %get3A_456 = arith.constant 240 : index
    %get3A_457 = tpu.vector_load %arg6[%get3A_456] {strides = array<i32>} : memref<1152xi32, #tpu.memory_space<vmem>>, vector<16xi32>,
    %sub3A_458 = arith.subi %get3A_457, %broadcast_in_dim3A_409 : vector<16xi32>
    tpu.vector_store_idx %arg8[%sub3A_458], %broadcast_in_dim3A_411 {add = true} : memref<1024xf32, #tpu.memory_space<vmem>>[vector<16xi32>], vector<16xf32>,
    %get3A_459 = arith.constant 256 : index
    %get3A_460 = tpu.vector_load %arg6[%get3A_459] {strides = array<i32>} : memref<1152xi32, #tpu.memory_space<vmem>>, vector<16xi32>,
    %sub3A_461 = arith.subi %get3A_460, %broadcast_in_dim3A_409 : vector<16xi32>
    tpu.vector_store_idx %arg8[%sub3A_461], %broadcast_in_dim3A_411 {add = true} : memref<1024xf32, #tpu.memory_space<vmem>>[vector<16xi32>], vector<16xf32>,
    %get3A_462 = arith.constant 272 : index
    %get3A_463 = tpu.vector_load %arg6[%get3A_462] {strides = array<i32>} : memref<1152xi32, #tpu.memory_space<vmem>>, vector<16xi32>,
    %sub3A_464 = arith.subi %get3A_463, %broadcast_in_dim3A_409 : vector<16xi32>
    tpu.vector_store_idx %arg8[%sub3A_464], %broadcast_in_dim3A_411 {add = true} : memref<1024xf32, #tpu.memory_space<vmem>>[vector<16xi32>], vector<16xf32>,
    %get3A_465 = arith.constant 288 : index
    %get3A_466 = tpu.vector_load %arg6[%get3A_465] {strides = array<i32>} : memref<1152xi32, #tpu.memory_space<vmem>>, vector<16xi32>,
    %sub3A_467 = arith.subi %get3A_466, %broadcast_in_dim3A_409 : vector<16xi32>
    tpu.vector_store_idx %arg8[%sub3A_467], %broadcast_in_dim3A_411 {add = true} : memref<1024xf32, #tpu.memory_space<vmem>>[vector<16xi32>], vector<16xf32>,
    %get3A_468 = arith.constant 304 : index
    %get3A_469 = tpu.vector_load %arg6[%get3A_468] {strides = array<i32>} : memref<1152xi32, #tpu.memory_space<vmem>>, vector<16xi32>,
    %sub3A_470 = arith.subi %get3A_469, %broadcast_in_dim3A_409 : vector<16xi32>
    tpu.vector_store_idx %arg8[%sub3A_470], %broadcast_in_dim3A_411 {add = true} : memref<1024xf32, #tpu.memory_space<vmem>>[vector<16xi32>], vector<16xf32>,
    %get3A_471 = arith.constant 320 : index
    %get3A_472 = tpu.vector_load %arg6[%get3A_471] {strides = array<i32>} : memref<1152xi32, #tpu.memory_space<vmem>>, vector<16xi32>,
    %sub3A_473 = arith.subi %get3A_472, %broadcast_in_dim3A_409 : vector<16xi32>
    tpu.vector_store_idx %arg8[%sub3A_473], %broadcast_in_dim3A_411 {add = true} : memref<1024xf32, #tpu.memory_space<vmem>>[vector<16xi32>], vector<16xf32>,
    %get3A_474 = arith.constant 336 : index
    %get3A_475 = tpu.vector_load %arg6[%get3A_474] {strides = array<i32>} : memref<1152xi32, #tpu.memory_space<vmem>>, vector<16xi32>,
    %sub3A_476 = arith.subi %get3A_475, %broadcast_in_dim3A_409 : vector<16xi32>
    tpu.vector_store_idx %arg8[%sub3A_476], %broadcast_in_dim3A_411 {add = true} : memref<1024xf32, #tpu.memory_space<vmem>>[vector<16xi32>], vector<16xf32>,
    %get3A_477 = arith.constant 352 : index
    %get3A_478 = tpu.vector_load %arg6[%get3A_477] {strides = array<i32>} : memref<1152xi32, #tpu.memory_space<vmem>>, vector<16xi32>,
    %sub3A_479 = arith.subi %get3A_478, %broadcast_in_dim3A_409 : vector<16xi32>
    tpu.vector_store_idx %arg8[%sub3A_479], %broadcast_in_dim3A_411 {add = true} : memref<1024xf32, #tpu.memory_space<vmem>>[vector<16xi32>], vector<16xf32>,
    %get3A_480 = arith.constant 368 : index
    %get3A_481 = tpu.vector_load %arg6[%get3A_480] {strides = array<i32>} : memref<1152xi32, #tpu.memory_space<vmem>>, vector<16xi32>,
    %sub3A_482 = arith.subi %get3A_481, %broadcast_in_dim3A_409 : vector<16xi32>
    tpu.vector_store_idx %arg8[%sub3A_482], %broadcast_in_dim3A_411 {add = true} : memref<1024xf32, #tpu.memory_space<vmem>>[vector<16xi32>], vector<16xf32>,
    %get3A_483 = arith.constant 384 : index
    %get3A_484 = tpu.vector_load %arg6[%get3A_483] {strides = array<i32>} : memref<1152xi32, #tpu.memory_space<vmem>>, vector<16xi32>,
    %sub3A_485 = arith.subi %get3A_484, %broadcast_in_dim3A_409 : vector<16xi32>
    tpu.vector_store_idx %arg8[%sub3A_485], %broadcast_in_dim3A_411 {add = true} : memref<1024xf32, #tpu.memory_space<vmem>>[vector<16xi32>], vector<16xf32>,
    %get3A_486 = arith.constant 400 : index
    %get3A_487 = tpu.vector_load %arg6[%get3A_486] {strides = array<i32>} : memref<1152xi32, #tpu.memory_space<vmem>>, vector<16xi32>,
    %sub3A_488 = arith.subi %get3A_487, %broadcast_in_dim3A_409 : vector<16xi32>
    tpu.vector_store_idx %arg8[%sub3A_488], %broadcast_in_dim3A_411 {add = true} : memref<1024xf32, #tpu.memory_space<vmem>>[vector<16xi32>], vector<16xf32>,
    %get3A_489 = arith.constant 416 : index
    %get3A_490 = tpu.vector_load %arg6[%get3A_489] {strides = array<i32>} : memref<1152xi32, #tpu.memory_space<vmem>>, vector<16xi32>,
    %sub3A_491 = arith.subi %get3A_490, %broadcast_in_dim3A_409 : vector<16xi32>
    tpu.vector_store_idx %arg8[%sub3A_491], %broadcast_in_dim3A_411 {add = true} : memref<1024xf32, #tpu.memory_space<vmem>>[vector<16xi32>], vector<16xf32>,
    %get3A_492 = arith.constant 432 : index
    %get3A_493 = tpu.vector_load %arg6[%get3A_492] {strides = array<i32>} : memref<1152xi32, #tpu.memory_space<vmem>>, vector<16xi32>,
    %sub3A_494 = arith.subi %get3A_493, %broadcast_in_dim3A_409 : vector<16xi32>
    tpu.vector_store_idx %arg8[%sub3A_494], %broadcast_in_dim3A_411 {add = true} : memref<1024xf32, #tpu.memory_space<vmem>>[vector<16xi32>], vector<16xf32>,
    %get3A_495 = arith.constant 448 : index
    %get3A_496 = tpu.vector_load %arg6[%get3A_495] {strides = array<i32>} : memref<1152xi32, #tpu.memory_space<vmem>>, vector<16xi32>,
    %sub3A_497 = arith.subi %get3A_496, %broadcast_in_dim3A_409 : vector<16xi32>
    tpu.vector_store_idx %arg8[%sub3A_497], %broadcast_in_dim3A_411 {add = true} : memref<1024xf32, #tpu.memory_space<vmem>>[vector<16xi32>], vector<16xf32>,
    %get3A_498 = arith.constant 464 : index
    %get3A_499 = tpu.vector_load %arg6[%get3A_498] {strides = array<i32>} : memref<1152xi32, #tpu.memory_space<vmem>>, vector<16xi32>,
    %sub3A_500 = arith.subi %get3A_499, %broadcast_in_dim3A_409 : vector<16xi32>
    tpu.vector_store_idx %arg8[%sub3A_500], %broadcast_in_dim3A_411 {add = true} : memref<1024xf32, #tpu.memory_space<vmem>>[vector<16xi32>], vector<16xf32>,
    %get3A_501 = arith.constant 480 : index
    %get3A_502 = tpu.vector_load %arg6[%get3A_501] {strides = array<i32>} : memref<1152xi32, #tpu.memory_space<vmem>>, vector<16xi32>,
    %sub3A_503 = arith.subi %get3A_502, %broadcast_in_dim3A_409 : vector<16xi32>
    tpu.vector_store_idx %arg8[%sub3A_503], %broadcast_in_dim3A_411 {add = true} : memref<1024xf32, #tpu.memory_space<vmem>>[vector<16xi32>], vector<16xf32>,
    %get3A_504 = arith.constant 496 : index
    %get3A_505 = tpu.vector_load %arg6[%get3A_504] {strides = array<i32>} : memref<1152xi32, #tpu.memory_space<vmem>>, vector<16xi32>,
    %sub3A_506 = arith.subi %get3A_505, %broadcast_in_dim3A_409 : vector<16xi32>
    tpu.vector_store_idx %arg8[%sub3A_506], %broadcast_in_dim3A_411 {add = true} : memref<1024xf32, #tpu.memory_space<vmem>>[vector<16xi32>], vector<16xf32>,
    %get3A_507 = arith.constant 512 : index
    %get3A_508 = tpu.vector_load %arg6[%get3A_507] {strides = array<i32>} : memref<1152xi32, #tpu.memory_space<vmem>>, vector<16xi32>,
    %sub3A_509 = arith.subi %get3A_508, %broadcast_in_dim3A_409 : vector<16xi32>
    tpu.vector_store_idx %arg8[%sub3A_509], %broadcast_in_dim3A_411 {add = true} : memref<1024xf32, #tpu.memory_space<vmem>>[vector<16xi32>], vector<16xf32>,
    %get3A_510 = arith.constant 528 : index
    %get3A_511 = tpu.vector_load %arg6[%get3A_510] {strides = array<i32>} : memref<1152xi32, #tpu.memory_space<vmem>>, vector<16xi32>,
    %sub3A_512 = arith.subi %get3A_511, %broadcast_in_dim3A_409 : vector<16xi32>
    tpu.vector_store_idx %arg8[%sub3A_512], %broadcast_in_dim3A_411 {add = true} : memref<1024xf32, #tpu.memory_space<vmem>>[vector<16xi32>], vector<16xf32>,
    %get3A_513 = arith.constant 544 : index
    %get3A_514 = tpu.vector_load %arg6[%get3A_513] {strides = array<i32>} : memref<1152xi32, #tpu.memory_space<vmem>>, vector<16xi32>,
    %sub3A_515 = arith.subi %get3A_514, %broadcast_in_dim3A_409 : vector<16xi32>
    tpu.vector_store_idx %arg8[%sub3A_515], %broadcast_in_dim3A_411 {add = true} : memref<1024xf32, #tpu.memory_space<vmem>>[vector<16xi32>], vector<16xf32>,
    %get3A_516 = arith.constant 560 : index
    %get3A_517 = tpu.vector_load %arg6[%get3A_516] {strides = array<i32>} : memref<1152xi32, #tpu.memory_space<vmem>>, vector<16xi32>,
    %sub3A_518 = arith.subi %get3A_517, %broadcast_in_dim3A_409 : vector<16xi32>
    tpu.vector_store_idx %arg8[%sub3A_518], %broadcast_in_dim3A_411 {add = true} : memref<1024xf32, #tpu.memory_space<vmem>>[vector<16xi32>], vector<16xf32>,
    %get3A_519 = arith.constant 576 : index
    %get3A_520 = tpu.vector_load %arg6[%get3A_519] {strides = array<i32>} : memref<1152xi32, #tpu.memory_space<vmem>>, vector<16xi32>,
    %sub3A_521 = arith.subi %get3A_520, %broadcast_in_dim3A_409 : vector<16xi32>
    tpu.vector_store_idx %arg8[%sub3A_521], %broadcast_in_dim3A_411 {add = true} : memref<1024xf32, #tpu.memory_space<vmem>>[vector<16xi32>], vector<16xf32>,
    %get3A_522 = arith.constant 592 : index
    %get3A_523 = tpu.vector_load %arg6[%get3A_522] {strides = array<i32>} : memref<1152xi32, #tpu.memory_space<vmem>>, vector<16xi32>,
    %sub3A_524 = arith.subi %get3A_523, %broadcast_in_dim3A_409 : vector<16xi32>
    tpu.vector_store_idx %arg8[%sub3A_524], %broadcast_in_dim3A_411 {add = true} : memref<1024xf32, #tpu.memory_space<vmem>>[vector<16xi32>], vector<16xf32>,
    %get3A_525 = arith.constant 608 : index
    %get3A_526 = tpu.vector_load %arg6[%get3A_525] {strides = array<i32>} : memref<1152xi32, #tpu.memory_space<vmem>>, vector<16xi32>,
    %sub3A_527 = arith.subi %get3A_526, %broadcast_in_dim3A_409 : vector<16xi32>
    tpu.vector_store_idx %arg8[%sub3A_527], %broadcast_in_dim3A_411 {add = true} : memref<1024xf32, #tpu.memory_space<vmem>>[vector<16xi32>], vector<16xf32>,
    %get3A_528 = arith.constant 624 : index
    %get3A_529 = tpu.vector_load %arg6[%get3A_528] {strides = array<i32>} : memref<1152xi32, #tpu.memory_space<vmem>>, vector<16xi32>,
    %sub3A_530 = arith.subi %get3A_529, %broadcast_in_dim3A_409 : vector<16xi32>
    tpu.vector_store_idx %arg8[%sub3A_530], %broadcast_in_dim3A_411 {add = true} : memref<1024xf32, #tpu.memory_space<vmem>>[vector<16xi32>], vector<16xf32>,
    %get3A_531 = arith.constant 640 : index
    %get3A_532 = tpu.vector_load %arg6[%get3A_531] {strides = array<i32>} : memref<1152xi32, #tpu.memory_space<vmem>>, vector<16xi32>,
    %sub3A_533 = arith.subi %get3A_532, %broadcast_in_dim3A_409 : vector<16xi32>
    tpu.vector_store_idx %arg8[%sub3A_533], %broadcast_in_dim3A_411 {add = true} : memref<1024xf32, #tpu.memory_space<vmem>>[vector<16xi32>], vector<16xf32>,
    %get3A_534 = arith.constant 656 : index
    %get3A_535 = tpu.vector_load %arg6[%get3A_534] {strides = array<i32>} : memref<1152xi32, #tpu.memory_space<vmem>>, vector<16xi32>,
    %sub3A_536 = arith.subi %get3A_535, %broadcast_in_dim3A_409 : vector<16xi32>
    tpu.vector_store_idx %arg8[%sub3A_536], %broadcast_in_dim3A_411 {add = true} : memref<1024xf32, #tpu.memory_space<vmem>>[vector<16xi32>], vector<16xf32>,
    %get3A_537 = arith.constant 672 : index
    %get3A_538 = tpu.vector_load %arg6[%get3A_537] {strides = array<i32>} : memref<1152xi32, #tpu.memory_space<vmem>>, vector<16xi32>,
    %sub3A_539 = arith.subi %get3A_538, %broadcast_in_dim3A_409 : vector<16xi32>
    tpu.vector_store_idx %arg8[%sub3A_539], %broadcast_in_dim3A_411 {add = true} : memref<1024xf32, #tpu.memory_space<vmem>>[vector<16xi32>], vector<16xf32>,
    %get3A_540 = arith.constant 688 : index
    %get3A_541 = tpu.vector_load %arg6[%get3A_540] {strides = array<i32>} : memref<1152xi32, #tpu.memory_space<vmem>>, vector<16xi32>,
    %sub3A_542 = arith.subi %get3A_541, %broadcast_in_dim3A_409 : vector<16xi32>
    tpu.vector_store_idx %arg8[%sub3A_542], %broadcast_in_dim3A_411 {add = true} : memref<1024xf32, #tpu.memory_space<vmem>>[vector<16xi32>], vector<16xf32>,
    %get3A_543 = arith.constant 704 : index
    %get3A_544 = tpu.vector_load %arg6[%get3A_543] {strides = array<i32>} : memref<1152xi32, #tpu.memory_space<vmem>>, vector<16xi32>,
    %sub3A_545 = arith.subi %get3A_544, %broadcast_in_dim3A_409 : vector<16xi32>
    tpu.vector_store_idx %arg8[%sub3A_545], %broadcast_in_dim3A_411 {add = true} : memref<1024xf32, #tpu.memory_space<vmem>>[vector<16xi32>], vector<16xf32>,
    %get3A_546 = arith.constant 720 : index
    %get3A_547 = tpu.vector_load %arg6[%get3A_546] {strides = array<i32>} : memref<1152xi32, #tpu.memory_space<vmem>>, vector<16xi32>,
    %sub3A_548 = arith.subi %get3A_547, %broadcast_in_dim3A_409 : vector<16xi32>
    tpu.vector_store_idx %arg8[%sub3A_548], %broadcast_in_dim3A_411 {add = true} : memref<1024xf32, #tpu.memory_space<vmem>>[vector<16xi32>], vector<16xf32>,
    %get3A_549 = arith.constant 736 : index
    %get3A_550 = tpu.vector_load %arg6[%get3A_549] {strides = array<i32>} : memref<1152xi32, #tpu.memory_space<vmem>>, vector<16xi32>,
    %sub3A_551 = arith.subi %get3A_550, %broadcast_in_dim3A_409 : vector<16xi32>
    tpu.vector_store_idx %arg8[%sub3A_551], %broadcast_in_dim3A_411 {add = true} : memref<1024xf32, #tpu.memory_space<vmem>>[vector<16xi32>], vector<16xf32>,
    %get3A_552 = arith.constant 752 : index
    %get3A_553 = tpu.vector_load %arg6[%get3A_552] {strides = array<i32>} : memref<1152xi32, #tpu.memory_space<vmem>>, vector<16xi32>,
    %sub3A_554 = arith.subi %get3A_553, %broadcast_in_dim3A_409 : vector<16xi32>
    tpu.vector_store_idx %arg8[%sub3A_554], %broadcast_in_dim3A_411 {add = true} : memref<1024xf32, #tpu.memory_space<vmem>>[vector<16xi32>], vector<16xf32>,
    %get3A_555 = arith.constant 768 : index
    %get3A_556 = tpu.vector_load %arg6[%get3A_555] {strides = array<i32>} : memref<1152xi32, #tpu.memory_space<vmem>>, vector<16xi32>,
    %sub3A_557 = arith.subi %get3A_556, %broadcast_in_dim3A_409 : vector<16xi32>
    tpu.vector_store_idx %arg8[%sub3A_557], %broadcast_in_dim3A_411 {add = true} : memref<1024xf32, #tpu.memory_space<vmem>>[vector<16xi32>], vector<16xf32>,
    %get3A_558 = arith.constant 784 : index
    %get3A_559 = tpu.vector_load %arg6[%get3A_558] {strides = array<i32>} : memref<1152xi32, #tpu.memory_space<vmem>>, vector<16xi32>,
    %sub3A_560 = arith.subi %get3A_559, %broadcast_in_dim3A_409 : vector<16xi32>
    tpu.vector_store_idx %arg8[%sub3A_560], %broadcast_in_dim3A_411 {add = true} : memref<1024xf32, #tpu.memory_space<vmem>>[vector<16xi32>], vector<16xf32>,
    %get3A_561 = arith.constant 800 : index
    %get3A_562 = tpu.vector_load %arg6[%get3A_561] {strides = array<i32>} : memref<1152xi32, #tpu.memory_space<vmem>>, vector<16xi32>,
    %sub3A_563 = arith.subi %get3A_562, %broadcast_in_dim3A_409 : vector<16xi32>
    tpu.vector_store_idx %arg8[%sub3A_563], %broadcast_in_dim3A_411 {add = true} : memref<1024xf32, #tpu.memory_space<vmem>>[vector<16xi32>], vector<16xf32>,
    %get3A_564 = arith.constant 816 : index
    %get3A_565 = tpu.vector_load %arg6[%get3A_564] {strides = array<i32>} : memref<1152xi32, #tpu.memory_space<vmem>>, vector<16xi32>,
    %sub3A_566 = arith.subi %get3A_565, %broadcast_in_dim3A_409 : vector<16xi32>
    tpu.vector_store_idx %arg8[%sub3A_566], %broadcast_in_dim3A_411 {add = true} : memref<1024xf32, #tpu.memory_space<vmem>>[vector<16xi32>], vector<16xf32>,
    %get3A_567 = arith.constant 832 : index
    %get3A_568 = tpu.vector_load %arg6[%get3A_567] {strides = array<i32>} : memref<1152xi32, #tpu.memory_space<vmem>>, vector<16xi32>,
    %sub3A_569 = arith.subi %get3A_568, %broadcast_in_dim3A_409 : vector<16xi32>
    tpu.vector_store_idx %arg8[%sub3A_569], %broadcast_in_dim3A_411 {add = true} : memref<1024xf32, #tpu.memory_space<vmem>>[vector<16xi32>], vector<16xf32>,
    %get3A_570 = arith.constant 848 : index
    %get3A_571 = tpu.vector_load %arg6[%get3A_570] {strides = array<i32>} : memref<1152xi32, #tpu.memory_space<vmem>>, vector<16xi32>,
    %sub3A_572 = arith.subi %get3A_571, %broadcast_in_dim3A_409 : vector<16xi32>
    tpu.vector_store_idx %arg8[%sub3A_572], %broadcast_in_dim3A_411 {add = true} : memref<1024xf32, #tpu.memory_space<vmem>>[vector<16xi32>], vector<16xf32>,
    %get3A_573 = arith.constant 864 : index
    %get3A_574 = tpu.vector_load %arg6[%get3A_573] {strides = array<i32>} : memref<1152xi32, #tpu.memory_space<vmem>>, vector<16xi32>,
    %sub3A_575 = arith.subi %get3A_574, %broadcast_in_dim3A_409 : vector<16xi32>
    tpu.vector_store_idx %arg8[%sub3A_575], %broadcast_in_dim3A_411 {add = true} : memref<1024xf32, #tpu.memory_space<vmem>>[vector<16xi32>], vector<16xf32>,
    %get3A_576 = arith.constant 880 : index
    %get3A_577 = tpu.vector_load %arg6[%get3A_576] {strides = array<i32>} : memref<1152xi32, #tpu.memory_space<vmem>>, vector<16xi32>,
    %sub3A_578 = arith.subi %get3A_577, %broadcast_in_dim3A_409 : vector<16xi32>
    tpu.vector_store_idx %arg8[%sub3A_578], %broadcast_in_dim3A_411 {add = true} : memref<1024xf32, #tpu.memory_space<vmem>>[vector<16xi32>], vector<16xf32>,
    %get3A_579 = arith.constant 896 : index
    %get3A_580 = tpu.vector_load %arg6[%get3A_579] {strides = array<i32>} : memref<1152xi32, #tpu.memory_space<vmem>>, vector<16xi32>,
    %sub3A_581 = arith.subi %get3A_580, %broadcast_in_dim3A_409 : vector<16xi32>
    tpu.vector_store_idx %arg8[%sub3A_581], %broadcast_in_dim3A_411 {add = true} : memref<1024xf32, #tpu.memory_space<vmem>>[vector<16xi32>], vector<16xf32>,
    %get3A_582 = arith.constant 912 : index
    %get3A_583 = tpu.vector_load %arg6[%get3A_582] {strides = array<i32>} : memref<1152xi32, #tpu.memory_space<vmem>>, vector<16xi32>,
    %sub3A_584 = arith.subi %get3A_583, %broadcast_in_dim3A_409 : vector<16xi32>
    tpu.vector_store_idx %arg8[%sub3A_584], %broadcast_in_dim3A_411 {add = true} : memref<1024xf32, #tpu.memory_space<vmem>>[vector<16xi32>], vector<16xf32>,
    %get3A_585 = arith.constant 928 : index
    %get3A_586 = tpu.vector_load %arg6[%get3A_585] {strides = array<i32>} : memref<1152xi32, #tpu.memory_space<vmem>>, vector<16xi32>,
    %sub3A_587 = arith.subi %get3A_586, %broadcast_in_dim3A_409 : vector<16xi32>
    tpu.vector_store_idx %arg8[%sub3A_587], %broadcast_in_dim3A_411 {add = true} : memref<1024xf32, #tpu.memory_space<vmem>>[vector<16xi32>], vector<16xf32>,
    %get3A_588 = arith.constant 944 : index
    %get3A_589 = tpu.vector_load %arg6[%get3A_588] {strides = array<i32>} : memref<1152xi32, #tpu.memory_space<vmem>>, vector<16xi32>,
    %sub3A_590 = arith.subi %get3A_589, %broadcast_in_dim3A_409 : vector<16xi32>
    tpu.vector_store_idx %arg8[%sub3A_590], %broadcast_in_dim3A_411 {add = true} : memref<1024xf32, #tpu.memory_space<vmem>>[vector<16xi32>], vector<16xf32>,
    %get3A_591 = arith.constant 960 : index
    %get3A_592 = tpu.vector_load %arg6[%get3A_591] {strides = array<i32>} : memref<1152xi32, #tpu.memory_space<vmem>>, vector<16xi32>,
    %sub3A_593 = arith.subi %get3A_592, %broadcast_in_dim3A_409 : vector<16xi32>
    tpu.vector_store_idx %arg8[%sub3A_593], %broadcast_in_dim3A_411 {add = true} : memref<1024xf32, #tpu.memory_space<vmem>>[vector<16xi32>], vector<16xf32>,
    %get3A_594 = arith.constant 976 : index
    %get3A_595 = tpu.vector_load %arg6[%get3A_594] {strides = array<i32>} : memref<1152xi32, #tpu.memory_space<vmem>>, vector<16xi32>,
    %sub3A_596 = arith.subi %get3A_595, %broadcast_in_dim3A_409 : vector<16xi32>
    tpu.vector_store_idx %arg8[%sub3A_596], %broadcast_in_dim3A_411 {add = true} : memref<1024xf32, #tpu.memory_space<vmem>>[vector<16xi32>], vector<16xf32>,
    %get3A_597 = arith.constant 992 : index
    %get3A_598 = tpu.vector_load %arg6[%get3A_597] {strides = array<i32>} : memref<1152xi32, #tpu.memory_space<vmem>>, vector<16xi32>,
    %sub3A_599 = arith.subi %get3A_598, %broadcast_in_dim3A_409 : vector<16xi32>
    tpu.vector_store_idx %arg8[%sub3A_599], %broadcast_in_dim3A_411 {add = true} : memref<1024xf32, #tpu.memory_space<vmem>>[vector<16xi32>], vector<16xf32>,
    %get3A_600 = arith.constant 1008 : index
    %get3A_601 = tpu.vector_load %arg6[%get3A_600] {strides = array<i32>} : memref<1152xi32, #tpu.memory_space<vmem>>, vector<16xi32>,
    %sub3A_602 = arith.subi %get3A_601, %broadcast_in_dim3A_409 : vector<16xi32>
    tpu.vector_store_idx %arg8[%sub3A_602], %broadcast_in_dim3A_411 {add = true} : memref<1024xf32, #tpu.memory_space<vmem>>[vector<16xi32>], vector<16xf32>,
    %get3A_603 = arith.constant 1024 : index
    %get3A_604 = tpu.vector_load %arg6[%get3A_603] {strides = array<i32>} : memref<1152xi32, #tpu.memory_space<vmem>>, vector<16xi32>,
    %sub3A_605 = arith.subi %get3A_604, %broadcast_in_dim3A_409 : vector<16xi32>
    tpu.vector_store_idx %arg8[%sub3A_605], %broadcast_in_dim3A_411 {add = true} : memref<1024xf32, #tpu.memory_space<vmem>>[vector<16xi32>], vector<16xf32>,
    %get3A_606 = arith.constant 1040 : index
    %get3A_607 = tpu.vector_load %arg6[%get3A_606] {strides = array<i32>} : memref<1152xi32, #tpu.memory_space<vmem>>, vector<16xi32>,
    %sub3A_608 = arith.subi %get3A_607, %broadcast_in_dim3A_409 : vector<16xi32>
    tpu.vector_store_idx %arg8[%sub3A_608], %broadcast_in_dim3A_411 {add = true} : memref<1024xf32, #tpu.memory_space<vmem>>[vector<16xi32>], vector<16xf32>,
    %get3A_609 = arith.constant 1056 : index
    %get3A_610 = tpu.vector_load %arg6[%get3A_609] {strides = array<i32>} : memref<1152xi32, #tpu.memory_space<vmem>>, vector<16xi32>,
    %sub3A_611 = arith.subi %get3A_610, %broadcast_in_dim3A_409 : vector<16xi32>
    tpu.vector_store_idx %arg8[%sub3A_611], %broadcast_in_dim3A_411 {add = true} : memref<1024xf32, #tpu.memory_space<vmem>>[vector<16xi32>], vector<16xf32>,
    %get3A_612 = arith.constant 1072 : index
    %get3A_613 = tpu.vector_load %arg6[%get3A_612] {strides = array<i32>} : memref<1152xi32, #tpu.memory_space<vmem>>, vector<16xi32>,
    %sub3A_614 = arith.subi %get3A_613, %broadcast_in_dim3A_409 : vector<16xi32>
    tpu.vector_store_idx %arg8[%sub3A_614], %broadcast_in_dim3A_411 {add = true} : memref<1024xf32, #tpu.memory_space<vmem>>[vector<16xi32>], vector<16xf32>,
    %get3A_615 = arith.constant 1088 : index
    %get3A_616 = tpu.vector_load %arg6[%get3A_615] {strides = array<i32>} : memref<1152xi32, #tpu.memory_space<vmem>>, vector<16xi32>,
    %sub3A_617 = arith.subi %get3A_616, %broadcast_in_dim3A_409 : vector<16xi32>
    tpu.vector_store_idx %arg8[%sub3A_617], %broadcast_in_dim3A_411 {add = true} : memref<1024xf32, #tpu.memory_space<vmem>>[vector<16xi32>], vector<16xf32>,
    %get3A_618 = arith.constant 1104 : index
    %get3A_619 = tpu.vector_load %arg6[%get3A_618] {strides = array<i32>} : memref<1152xi32, #tpu.memory_space<vmem>>, vector<16xi32>,
    %sub3A_620 = arith.subi %get3A_619, %broadcast_in_dim3A_409 : vector<16xi32>
    tpu.vector_store_idx %arg8[%sub3A_620], %broadcast_in_dim3A_411 {add = true} : memref<1024xf32, #tpu.memory_space<vmem>>[vector<16xi32>], vector<16xf32>,
    %get3A_621 = arith.constant 1120 : index
    %get3A_622 = tpu.vector_load %arg6[%get3A_621] {strides = array<i32>} : memref<1152xi32, #tpu.memory_space<vmem>>, vector<16xi32>,
    %sub3A_623 = arith.subi %get3A_622, %broadcast_in_dim3A_409 : vector<16xi32>
    tpu.vector_store_idx %arg8[%sub3A_623], %broadcast_in_dim3A_411 {add = true} : memref<1024xf32, #tpu.memory_space<vmem>>[vector<16xi32>], vector<16xf32>,
    %get3A_624 = arith.constant 1136 : index
    %get3A_625 = tpu.vector_load %arg6[%get3A_624] {strides = array<i32>} : memref<1152xi32, #tpu.memory_space<vmem>>, vector<16xi32>,
    %sub3A_626 = arith.subi %get3A_625, %broadcast_in_dim3A_409 : vector<16xi32>
    tpu.vector_store_idx %arg8[%sub3A_626], %broadcast_in_dim3A_411 {add = true} : memref<1024xf32, #tpu.memory_space<vmem>>[vector<16xi32>], vector<16xf32>,
    "tpu.region"() ({
      %run_scoped3A = tpu.sem_alloc : memref<!tpu.dma_semaphore, #tpu.memory_space<semaphore_mem>>
      %dma_start3A_702 = arith.constant 0 : i32
      %dma_start3A_703 = tpu.memref_slice %arg5[%select_n3A, %select_n3A_30, %dma_start3A_702] : memref<8x4x1024xf32, #tpu.memory_space<hbm>> -> memref<1x1x1024xf32, #tpu.memory_space<hbm>>
      %dma_start3A_704 = tpu.memref_squeeze %dma_start3A_703 : memref<1x1x1024xf32, #tpu.memory_space<hbm>> -> memref<1024xf32, #tpu.memory_space<hbm>>
      %dma_start3A_705 = arith.constant 0 : i32
      %dma_start3A_706 = tpu.memref_slice %arg5[%select_n3A, %select_n3A_30, %dma_start3A_705] : memref<8x4x1024xf32, #tpu.memory_space<hbm>> -> memref<1x1x1024xf32, #tpu.memory_space<hbm>>
      %dma_start3A_707 = tpu.memref_squeeze %dma_start3A_706 : memref<1x1x1024xf32, #tpu.memory_space<hbm>> -> memref<1024xf32, #tpu.memory_space<hbm>>
      tpu.enqueue_dma source(%arg8 : memref<1024xf32, #tpu.memory_space<vmem>>) target(%dma_start3A_707 : memref<1024xf32, #tpu.memory_space<hbm>>) target_semaphore(%run_scoped3A : memref<!tpu.dma_semaphore, #tpu.memory_space<semaphore_mem>>)
      %dma_wait3A_708 = arith.constant 0 : i32
      %dma_wait3A_709 = tpu.memref_slice %arg5[%select_n3A, %select_n3A_30, %dma_wait3A_708] : memref<8x4x1024xf32, #tpu.memory_space<hbm>> -> memref<1x1x1024xf32, #tpu.memory_space<hbm>>
      %dma_wait3A_710 = tpu.memref_squeeze %dma_wait3A_709 : memref<1x1x1024xf32, #tpu.memory_space<hbm>> -> memref<1024xf32, #tpu.memory_space<hbm>>
      %dma_wait3A_711 = arith.constant 0 : i32
      %dma_wait3A_712 = tpu.memref_slice %arg5[%select_n3A, %select_n3A_30, %dma_wait3A_711] : memref<8x4x1024xf32, #tpu.memory_space<hbm>> -> memref<1x1x1024xf32, #tpu.memory_space<hbm>>
      %dma_wait3A_713 = tpu.memref_squeeze %dma_wait3A_712 : memref<1x1x1024xf32, #tpu.memory_space<hbm>> -> memref<1024xf32, #tpu.memory_space<hbm>>
      tpu.wait_dma2 semaphore(%run_scoped3A : memref<!tpu.dma_semaphore, #tpu.memory_space<semaphore_mem>>) src(%arg8 : memref<1024xf32, #tpu.memory_space<vmem>>) dst(%dma_wait3A_713 : memref<1024xf32, #tpu.memory_space<hbm>>)
      tpu.yield
    }) : () -> ()
    %dma_wait3A = arith.constant 0 : i32
    %dma_wait3A_627 = arith.constant 0 : i32
    %dma_wait3A_628 = tpu.memref_slice %arg7[%dma_wait3A, %dma_wait3A_627] : memref<1152x64xf32, #tpu.memory_space<vmem>> -> memref<128x64xf32, #tpu.memory_space<vmem>>
    %dma_wait3A_629 = arith.constant 0 : i32
    %dma_wait3A_630 = tpu.memref_slice %arg6[%dma_wait3A_629] : memref<1152xi32, #tpu.memory_space<vmem>> -> memref<128xi32, #tpu.memory_space<vmem>>
    %dma_wait3A_631 = arith.constant 0 : i32
    %dma_wait3A_632 = arith.constant 0 : i32
    %dma_wait3A_633 = tpu.memref_slice %arg9[%dma_wait3A_631, %dma_wait3A_632] : memref<4096x64xf32, #tpu.memory_space<vmem_shared>> -> memref<4096x64xf32, #tpu.memory_space<vmem_shared>>
    tpu.wait_indirect_dma semaphore(%arg10 : memref<!tpu.dma_semaphore, #tpu.memory_space<semaphore_mem>>) src(%dma_wait3A_633 : memref<4096x64xf32, #tpu.memory_space<vmem_shared>>) dst(%dma_wait3A_628 : memref<128x64xf32, #tpu.memory_space<vmem>>)
    %dma_wait3A_634 = arith.constant 128 : i32
    %dma_wait3A_635 = arith.constant 0 : i32
    %dma_wait3A_636 = tpu.memref_slice %arg7[%dma_wait3A_634, %dma_wait3A_635] : memref<1152x64xf32, #tpu.memory_space<vmem>> -> memref<128x64xf32, #tpu.memory_space<vmem>>
    %dma_wait3A_637 = arith.constant 128 : i32
    %dma_wait3A_638 = tpu.memref_slice %arg6[%dma_wait3A_637] : memref<1152xi32, #tpu.memory_space<vmem>> -> memref<128xi32, #tpu.memory_space<vmem>>
    %dma_wait3A_639 = arith.constant 0 : i32
    %dma_wait3A_640 = arith.constant 0 : i32
    %dma_wait3A_641 = tpu.memref_slice %arg9[%dma_wait3A_639, %dma_wait3A_640] : memref<4096x64xf32, #tpu.memory_space<vmem_shared>> -> memref<4096x64xf32, #tpu.memory_space<vmem_shared>>
    tpu.wait_indirect_dma semaphore(%arg10 : memref<!tpu.dma_semaphore, #tpu.memory_space<semaphore_mem>>) src(%dma_wait3A_641 : memref<4096x64xf32, #tpu.memory_space<vmem_shared>>) dst(%dma_wait3A_636 : memref<128x64xf32, #tpu.memory_space<vmem>>)
    %dma_wait3A_642 = arith.constant 256 : i32
    %dma_wait3A_643 = arith.constant 0 : i32
    %dma_wait3A_644 = tpu.memref_slice %arg7[%dma_wait3A_642, %dma_wait3A_643] : memref<1152x64xf32, #tpu.memory_space<vmem>> -> memref<128x64xf32, #tpu.memory_space<vmem>>
    %dma_wait3A_645 = arith.constant 256 : i32
    %dma_wait3A_646 = tpu.memref_slice %arg6[%dma_wait3A_645] : memref<1152xi32, #tpu.memory_space<vmem>> -> memref<128xi32, #tpu.memory_space<vmem>>
    %dma_wait3A_647 = arith.constant 0 : i32
    %dma_wait3A_648 = arith.constant 0 : i32
    %dma_wait3A_649 = tpu.memref_slice %arg9[%dma_wait3A_647, %dma_wait3A_648] : memref<4096x64xf32, #tpu.memory_space<vmem_shared>> -> memref<4096x64xf32, #tpu.memory_space<vmem_shared>>
    tpu.wait_indirect_dma semaphore(%arg10 : memref<!tpu.dma_semaphore, #tpu.memory_space<semaphore_mem>>) src(%dma_wait3A_649 : memref<4096x64xf32, #tpu.memory_space<vmem_shared>>) dst(%dma_wait3A_644 : memref<128x64xf32, #tpu.memory_space<vmem>>)
    %dma_wait3A_650 = arith.constant 384 : i32
    %dma_wait3A_651 = arith.constant 0 : i32
    %dma_wait3A_652 = tpu.memref_slice %arg7[%dma_wait3A_650, %dma_wait3A_651] : memref<1152x64xf32, #tpu.memory_space<vmem>> -> memref<128x64xf32, #tpu.memory_space<vmem>>
    %dma_wait3A_653 = arith.constant 384 : i32
    %dma_wait3A_654 = tpu.memref_slice %arg6[%dma_wait3A_653] : memref<1152xi32, #tpu.memory_space<vmem>> -> memref<128xi32, #tpu.memory_space<vmem>>
    %dma_wait3A_655 = arith.constant 0 : i32
    %dma_wait3A_656 = arith.constant 0 : i32
    %dma_wait3A_657 = tpu.memref_slice %arg9[%dma_wait3A_655, %dma_wait3A_656] : memref<4096x64xf32, #tpu.memory_space<vmem_shared>> -> memref<4096x64xf32, #tpu.memory_space<vmem_shared>>
    tpu.wait_indirect_dma semaphore(%arg10 : memref<!tpu.dma_semaphore, #tpu.memory_space<semaphore_mem>>) src(%dma_wait3A_657 : memref<4096x64xf32, #tpu.memory_space<vmem_shared>>) dst(%dma_wait3A_652 : memref<128x64xf32, #tpu.memory_space<vmem>>)
    %dma_wait3A_658 = arith.constant 512 : i32
    %dma_wait3A_659 = arith.constant 0 : i32
    %dma_wait3A_660 = tpu.memref_slice %arg7[%dma_wait3A_658, %dma_wait3A_659] : memref<1152x64xf32, #tpu.memory_space<vmem>> -> memref<128x64xf32, #tpu.memory_space<vmem>>
    %dma_wait3A_661 = arith.constant 512 : i32
    %dma_wait3A_662 = tpu.memref_slice %arg6[%dma_wait3A_661] : memref<1152xi32, #tpu.memory_space<vmem>> -> memref<128xi32, #tpu.memory_space<vmem>>
    %dma_wait3A_663 = arith.constant 0 : i32
    %dma_wait3A_664 = arith.constant 0 : i32
    %dma_wait3A_665 = tpu.memref_slice %arg9[%dma_wait3A_663, %dma_wait3A_664] : memref<4096x64xf32, #tpu.memory_space<vmem_shared>> -> memref<4096x64xf32, #tpu.memory_space<vmem_shared>>
    tpu.wait_indirect_dma semaphore(%arg10 : memref<!tpu.dma_semaphore, #tpu.memory_space<semaphore_mem>>) src(%dma_wait3A_665 : memref<4096x64xf32, #tpu.memory_space<vmem_shared>>) dst(%dma_wait3A_660 : memref<128x64xf32, #tpu.memory_space<vmem>>)
    %dma_wait3A_666 = arith.constant 640 : i32
    %dma_wait3A_667 = arith.constant 0 : i32
    %dma_wait3A_668 = tpu.memref_slice %arg7[%dma_wait3A_666, %dma_wait3A_667] : memref<1152x64xf32, #tpu.memory_space<vmem>> -> memref<128x64xf32, #tpu.memory_space<vmem>>
    %dma_wait3A_669 = arith.constant 640 : i32
    %dma_wait3A_670 = tpu.memref_slice %arg6[%dma_wait3A_669] : memref<1152xi32, #tpu.memory_space<vmem>> -> memref<128xi32, #tpu.memory_space<vmem>>
    %dma_wait3A_671 = arith.constant 0 : i32
    %dma_wait3A_672 = arith.constant 0 : i32
    %dma_wait3A_673 = tpu.memref_slice %arg9[%dma_wait3A_671, %dma_wait3A_672] : memref<4096x64xf32, #tpu.memory_space<vmem_shared>> -> memref<4096x64xf32, #tpu.memory_space<vmem_shared>>
    tpu.wait_indirect_dma semaphore(%arg10 : memref<!tpu.dma_semaphore, #tpu.memory_space<semaphore_mem>>) src(%dma_wait3A_673 : memref<4096x64xf32, #tpu.memory_space<vmem_shared>>) dst(%dma_wait3A_668 : memref<128x64xf32, #tpu.memory_space<vmem>>)
    %dma_wait3A_674 = arith.constant 768 : i32
    %dma_wait3A_675 = arith.constant 0 : i32
    %dma_wait3A_676 = tpu.memref_slice %arg7[%dma_wait3A_674, %dma_wait3A_675] : memref<1152x64xf32, #tpu.memory_space<vmem>> -> memref<128x64xf32, #tpu.memory_space<vmem>>
    %dma_wait3A_677 = arith.constant 768 : i32
    %dma_wait3A_678 = tpu.memref_slice %arg6[%dma_wait3A_677] : memref<1152xi32, #tpu.memory_space<vmem>> -> memref<128xi32, #tpu.memory_space<vmem>>
    %dma_wait3A_679 = arith.constant 0 : i32
    %dma_wait3A_680 = arith.constant 0 : i32
    %dma_wait3A_681 = tpu.memref_slice %arg9[%dma_wait3A_679, %dma_wait3A_680] : memref<4096x64xf32, #tpu.memory_space<vmem_shared>> -> memref<4096x64xf32, #tpu.memory_space<vmem_shared>>
    tpu.wait_indirect_dma semaphore(%arg10 : memref<!tpu.dma_semaphore, #tpu.memory_space<semaphore_mem>>) src(%dma_wait3A_681 : memref<4096x64xf32, #tpu.memory_space<vmem_shared>>) dst(%dma_wait3A_676 : memref<128x64xf32, #tpu.memory_space<vmem>>)
    %dma_wait3A_682 = arith.constant 896 : i32
    %dma_wait3A_683 = arith.constant 0 : i32
    %dma_wait3A_684 = tpu.memref_slice %arg7[%dma_wait3A_682, %dma_wait3A_683] : memref<1152x64xf32, #tpu.memory_space<vmem>> -> memref<128x64xf32, #tpu.memory_space<vmem>>
    %dma_wait3A_685 = arith.constant 896 : i32
    %dma_wait3A_686 = tpu.memref_slice %arg6[%dma_wait3A_685] : memref<1152xi32, #tpu.memory_space<vmem>> -> memref<128xi32, #tpu.memory_space<vmem>>
    %dma_wait3A_687 = arith.constant 0 : i32
    %dma_wait3A_688 = arith.constant 0 : i32
    %dma_wait3A_689 = tpu.memref_slice %arg9[%dma_wait3A_687, %dma_wait3A_688] : memref<4096x64xf32, #tpu.memory_space<vmem_shared>> -> memref<4096x64xf32, #tpu.memory_space<vmem_shared>>
    tpu.wait_indirect_dma semaphore(%arg10 : memref<!tpu.dma_semaphore, #tpu.memory_space<semaphore_mem>>) src(%dma_wait3A_689 : memref<4096x64xf32, #tpu.memory_space<vmem_shared>>) dst(%dma_wait3A_684 : memref<128x64xf32, #tpu.memory_space<vmem>>)
    %dma_wait3A_690 = arith.constant 1024 : i32
    %dma_wait3A_691 = arith.constant 0 : i32
    %dma_wait3A_692 = tpu.memref_slice %arg7[%dma_wait3A_690, %dma_wait3A_691] : memref<1152x64xf32, #tpu.memory_space<vmem>> -> memref<128x64xf32, #tpu.memory_space<vmem>>
    %dma_wait3A_693 = arith.constant 1024 : i32
    %dma_wait3A_694 = tpu.memref_slice %arg6[%dma_wait3A_693] : memref<1152xi32, #tpu.memory_space<vmem>> -> memref<128xi32, #tpu.memory_space<vmem>>
    %dma_wait3A_695 = arith.constant 0 : i32
    %dma_wait3A_696 = arith.constant 0 : i32
    %dma_wait3A_697 = tpu.memref_slice %arg9[%dma_wait3A_695, %dma_wait3A_696] : memref<4096x64xf32, #tpu.memory_space<vmem_shared>> -> memref<4096x64xf32, #tpu.memory_space<vmem_shared>>
    tpu.wait_indirect_dma semaphore(%arg10 : memref<!tpu.dma_semaphore, #tpu.memory_space<semaphore_mem>>) src(%dma_wait3A_697 : memref<4096x64xf32, #tpu.memory_space<vmem_shared>>) dst(%dma_wait3A_692 : memref<128x64xf32, #tpu.memory_space<vmem>>)
    %mul3A_698 = arith.constant 1152 : i32
    %mul3A_699 = arith.muli %select_n3A, %mul3A_698 : i32
    %mul3A_700 = arith.constant 64 : i32
    %mul3A_701 = arith.muli %select_n3A_30, %mul3A_700 : i32
    "tpu.region"() ({
      %run_scoped3A = tpu.sem_alloc : memref<!tpu.dma_semaphore, #tpu.memory_space<semaphore_mem>>
      %dma_start3A_702 = tpu.memref_slice %arg4[%mul3A_699, %mul3A_701] : memref<9216x256xf32, #tpu.memory_space<hbm>> -> memref<1152x64xf32, #tpu.memory_space<hbm>>
      %dma_start3A_703 = tpu.memref_slice %arg4[%mul3A_699, %mul3A_701] : memref<9216x256xf32, #tpu.memory_space<hbm>> -> memref<1152x64xf32, #tpu.memory_space<hbm>>
      tpu.enqueue_dma source(%arg7 : memref<1152x64xf32, #tpu.memory_space<vmem>>) target(%dma_start3A_703 : memref<1152x64xf32, #tpu.memory_space<hbm>>) target_semaphore(%run_scoped3A : memref<!tpu.dma_semaphore, #tpu.memory_space<semaphore_mem>>)
      %dma_wait3A_704 = tpu.memref_slice %arg4[%mul3A_699, %mul3A_701] : memref<9216x256xf32, #tpu.memory_space<hbm>> -> memref<1152x64xf32, #tpu.memory_space<hbm>>
      %dma_wait3A_705 = tpu.memref_slice %arg4[%mul3A_699, %mul3A_701] : memref<9216x256xf32, #tpu.memory_space<hbm>> -> memref<1152x64xf32, #tpu.memory_space<hbm>>
      tpu.wait_dma2 semaphore(%run_scoped3A : memref<!tpu.dma_semaphore, #tpu.memory_space<semaphore_mem>>) src(%arg7 : memref<1152x64xf32, #tpu.memory_space<vmem>>) dst(%dma_wait3A_705 : memref<1152x64xf32, #tpu.memory_space<hbm>>)
      tpu.yield
    }) : () -> ()
    return
  }
}

module attributes {stable_mosaic.version = 14 : i64} {
  func.func @_tc_body(%arg0: i32, %arg1: memref<2304x256xf32, #tpu.memory_space<vmem>>, %arg2: memref<4x64x1024xf32, #tpu.memory_space<vmem>>, %arg3: memref<4x18x128xi32, #tpu.memory_space<vmem>>, %arg4: memref<4x18x128xi32, #tpu.memory_space<vmem>>) attributes {dimension_semantics = [#tpu.dimension_semantics<arbitrary>], iteration_bounds = array<i64: 4>, scalar_prefetch = 0 : i64, scratch_operands = 0 : i64, tpu.core_type = #tpu.core_type<tc>, window_params = [{transform_indices = @transform_0, window_bounds = array<i64: 2304, 256>}, {pipeline_mode = #tpu.pipeline_mode<synchronous>, transform_indices = @transform_1, window_bounds = array<i64: 4, 64, 1024>}, {transform_indices = @transform_2, window_bounds = array<i64: 4, 18, 128>}, {transform_indices = @transform_3, window_bounds = array<i64: 4, 18, 128>}]} {
    %get3A = arith.constant 0 : index
    %get3A_0 = arith.constant 0 : index
    %get3A_1 = vector.load %arg1[%get3A, %get3A_0] : memref<2304x256xf32, #tpu.memory_space<vmem>>, vector<2304x256xf32>
    %slice3A = vector.extract_strided_slice %get3A_1 {offsets = [0, 0], sizes = [2304, 64], strides = [1, 1]} : vector<2304x256xf32> to vector<2304x64xf32>
    %get3A_2 = arith.constant 0 : index
    %get3A_3 = arith.constant 0 : index
    %get3A_4 = arith.constant 0 : index
    %get3A_5 = vector.load %arg2[%get3A_2, %get3A_3, %get3A_4] : memref<4x64x1024xf32, #tpu.memory_space<vmem>>, vector<1x64x1024xf32>
    %get3A_6 = vector.shape_cast %get3A_5 : vector<1x64x1024xf32> to vector<64x1024xf32>
    %mul3A = arith.constant -2.000000e+00 : f32
    %mul3A_7 = vector.broadcast %mul3A : f32 to vector<64x1024xf32>
    %mul3A_8 = arith.mulf %mul3A_7, %get3A_6 : vector<64x1024xf32>
    %dot_general3A = arith.constant dense<0.000000e+00> : vector<2304x1024xf32>
    %dot_general3A_9 = tpu.matmul %slice3A, %mul3A_8, %dot_general3A {dimension_numbers = #tpu.dot_dimension_numbers<[1], [0], [0], [1], [0, 0, 1, 1], [], []>, transpose_lhs_hint = false} : vector<2304x64xf32>, vector<64x1024xf32>, vector<2304x1024xf32> -> vector<2304x1024xf32>
    %mul3A_10 = arith.mulf %slice3A, %slice3A : vector<2304x64xf32>
    %reduce_sum3A = arith.constant dense<0.000000e+00> : vector<2304xf32>
    %reduce_sum3A_11 = vector.multi_reduction <add>, %mul3A_10, %reduce_sum3A [1] : vector<2304x64xf32> to vector<2304xf32>
    %broadcast_in_dim3A = vector.shape_cast %reduce_sum3A_11 : vector<2304xf32> to vector<2304x1xf32>
    %mul3A_12 = arith.mulf %get3A_6, %get3A_6 : vector<64x1024xf32>
    %reduce_sum3A_13 = arith.constant dense<0.000000e+00> : vector<1024xf32>
    %reduce_sum3A_14 = vector.multi_reduction <add>, %mul3A_12, %reduce_sum3A_13 [0] : vector<64x1024xf32> to vector<1024xf32>
    %broadcast_in_dim3A_15 = vector.shape_cast %reduce_sum3A_14 : vector<1024xf32> to vector<1x1024xf32>
    %add3A = vector.broadcast %broadcast_in_dim3A : vector<2304x1xf32> to vector<2304x1024xf32>
    %add3A_16 = arith.addf %add3A, %dot_general3A_9 : vector<2304x1024xf32>
    %add3A_17 = vector.broadcast %broadcast_in_dim3A_15 : vector<1x1024xf32> to vector<2304x1024xf32>
    %add3A_18 = arith.addf %add3A_16, %add3A_17 : vector<2304x1024xf32>
    %argmin3A = tpu.reduce_index %add3A_18 {axis = 1 : i32, kind = #tpu.reduction_kind<arg_min>} : vector<2304x1024xf32> -> vector<2304xi32>
    %reshape3A = vector.shape_cast %argmin3A : vector<2304xi32> to vector<18x128xi32>
    %swap3A = arith.constant 0 : index
    %swap3A_19 = arith.constant 0 : index
    %swap3A_20 = arith.constant 0 : index
    %swap3A_21 = vector.load %arg3[%swap3A, %swap3A_19, %swap3A_20] : memref<4x18x128xi32, #tpu.memory_space<vmem>>, vector<1x18x128xi32>
    %swap3A_22 = vector.shape_cast %swap3A_21 : vector<1x18x128xi32> to vector<18x128xi32>
    %swap3A_23 = vector.shape_cast %reshape3A : vector<18x128xi32> to vector<1x18x128xi32>
    tpu.vector_store %arg3[%swap3A, %swap3A_19, %swap3A_20], %swap3A_23 {strides = array<i32>} : memref<4x18x128xi32, #tpu.memory_space<vmem>>, vector<1x18x128xi32>,
    %add3A_24 = arith.constant 0 : i32
    %add3A_25 = vector.broadcast %add3A_24 : i32 to vector<2304xi32>
    %add3A_26 = arith.addi %argmin3A, %add3A_25 : vector<2304xi32>
    %reshape3A_27 = vector.shape_cast %add3A_26 : vector<2304xi32> to vector<18x128xi32>
    %swap3A_28 = arith.constant 0 : index
    %swap3A_29 = arith.constant 0 : index
    %swap3A_30 = arith.constant 0 : index
    %swap3A_31 = vector.load %arg4[%swap3A_28, %swap3A_29, %swap3A_30] : memref<4x18x128xi32, #tpu.memory_space<vmem>>, vector<1x18x128xi32>
    %swap3A_32 = vector.shape_cast %swap3A_31 : vector<1x18x128xi32> to vector<18x128xi32>
    %swap3A_33 = vector.shape_cast %reshape3A_27 : vector<18x128xi32> to vector<1x18x128xi32>
    tpu.vector_store %arg4[%swap3A_28, %swap3A_29, %swap3A_30], %swap3A_33 {strides = array<i32>} : memref<4x18x128xi32, #tpu.memory_space<vmem>>, vector<1x18x128xi32>,
    %slice3A_34 = vector.extract_strided_slice %get3A_1 {offsets = [0, 64], sizes = [2304, 64], strides = [1, 1]} : vector<2304x256xf32> to vector<2304x64xf32>
    %get3A_35 = arith.constant 1 : index
    %get3A_36 = arith.constant 0 : index
    %get3A_37 = arith.constant 0 : index
    %get3A_38 = vector.load %arg2[%get3A_35, %get3A_36, %get3A_37] : memref<4x64x1024xf32, #tpu.memory_space<vmem>>, vector<1x64x1024xf32>
    %get3A_39 = vector.shape_cast %get3A_38 : vector<1x64x1024xf32> to vector<64x1024xf32>
    %mul3A_40 = arith.constant -2.000000e+00 : f32
    %mul3A_41 = vector.broadcast %mul3A_40 : f32 to vector<64x1024xf32>
    %mul3A_42 = arith.mulf %mul3A_41, %get3A_39 : vector<64x1024xf32>
    %dot_general3A_43 = arith.constant dense<0.000000e+00> : vector<2304x1024xf32>
    %dot_general3A_44 = tpu.matmul %slice3A_34, %mul3A_42, %dot_general3A_43 {dimension_numbers = #tpu.dot_dimension_numbers<[1], [0], [0], [1], [0, 0, 1, 1], [], []>, transpose_lhs_hint = false} : vector<2304x64xf32>, vector<64x1024xf32>, vector<2304x1024xf32> -> vector<2304x1024xf32>
    %mul3A_45 = arith.mulf %slice3A_34, %slice3A_34 : vector<2304x64xf32>
    %reduce_sum3A_46 = arith.constant dense<0.000000e+00> : vector<2304xf32>
    %reduce_sum3A_47 = vector.multi_reduction <add>, %mul3A_45, %reduce_sum3A_46 [1] : vector<2304x64xf32> to vector<2304xf32>
    %broadcast_in_dim3A_48 = vector.shape_cast %reduce_sum3A_47 : vector<2304xf32> to vector<2304x1xf32>
    %mul3A_49 = arith.mulf %get3A_39, %get3A_39 : vector<64x1024xf32>
    %reduce_sum3A_50 = arith.constant dense<0.000000e+00> : vector<1024xf32>
    %reduce_sum3A_51 = vector.multi_reduction <add>, %mul3A_49, %reduce_sum3A_50 [0] : vector<64x1024xf32> to vector<1024xf32>
    %broadcast_in_dim3A_52 = vector.shape_cast %reduce_sum3A_51 : vector<1024xf32> to vector<1x1024xf32>
    %add3A_53 = vector.broadcast %broadcast_in_dim3A_48 : vector<2304x1xf32> to vector<2304x1024xf32>
    %add3A_54 = arith.addf %add3A_53, %dot_general3A_44 : vector<2304x1024xf32>
    %add3A_55 = vector.broadcast %broadcast_in_dim3A_52 : vector<1x1024xf32> to vector<2304x1024xf32>
    %add3A_56 = arith.addf %add3A_54, %add3A_55 : vector<2304x1024xf32>
    %argmin3A_57 = tpu.reduce_index %add3A_56 {axis = 1 : i32, kind = #tpu.reduction_kind<arg_min>} : vector<2304x1024xf32> -> vector<2304xi32>
    %reshape3A_58 = vector.shape_cast %argmin3A_57 : vector<2304xi32> to vector<18x128xi32>
    %swap3A_59 = arith.constant 1 : index
    %swap3A_60 = arith.constant 0 : index
    %swap3A_61 = arith.constant 0 : index
    %swap3A_62 = vector.load %arg3[%swap3A_59, %swap3A_60, %swap3A_61] : memref<4x18x128xi32, #tpu.memory_space<vmem>>, vector<1x18x128xi32>
    %swap3A_63 = vector.shape_cast %swap3A_62 : vector<1x18x128xi32> to vector<18x128xi32>
    %swap3A_64 = vector.shape_cast %reshape3A_58 : vector<18x128xi32> to vector<1x18x128xi32>
    tpu.vector_store %arg3[%swap3A_59, %swap3A_60, %swap3A_61], %swap3A_64 {strides = array<i32>} : memref<4x18x128xi32, #tpu.memory_space<vmem>>, vector<1x18x128xi32>,
    %add3A_65 = arith.constant 1024 : i32
    %add3A_66 = vector.broadcast %add3A_65 : i32 to vector<2304xi32>
    %add3A_67 = arith.addi %argmin3A_57, %add3A_66 : vector<2304xi32>
    %reshape3A_68 = vector.shape_cast %add3A_67 : vector<2304xi32> to vector<18x128xi32>
    %swap3A_69 = arith.constant 1 : index
    %swap3A_70 = arith.constant 0 : index
    %swap3A_71 = arith.constant 0 : index
    %swap3A_72 = vector.load %arg4[%swap3A_69, %swap3A_70, %swap3A_71] : memref<4x18x128xi32, #tpu.memory_space<vmem>>, vector<1x18x128xi32>
    %swap3A_73 = vector.shape_cast %swap3A_72 : vector<1x18x128xi32> to vector<18x128xi32>
    %swap3A_74 = vector.shape_cast %reshape3A_68 : vector<18x128xi32> to vector<1x18x128xi32>
    tpu.vector_store %arg4[%swap3A_69, %swap3A_70, %swap3A_71], %swap3A_74 {strides = array<i32>} : memref<4x18x128xi32, #tpu.memory_space<vmem>>, vector<1x18x128xi32>,
    %slice3A_75 = vector.extract_strided_slice %get3A_1 {offsets = [0, 128], sizes = [2304, 64], strides = [1, 1]} : vector<2304x256xf32> to vector<2304x64xf32>
    %get3A_76 = arith.constant 2 : index
    %get3A_77 = arith.constant 0 : index
    %get3A_78 = arith.constant 0 : index
    %get3A_79 = vector.load %arg2[%get3A_76, %get3A_77, %get3A_78] : memref<4x64x1024xf32, #tpu.memory_space<vmem>>, vector<1x64x1024xf32>
    %get3A_80 = vector.shape_cast %get3A_79 : vector<1x64x1024xf32> to vector<64x1024xf32>
    %mul3A_81 = arith.constant -2.000000e+00 : f32
    %mul3A_82 = vector.broadcast %mul3A_81 : f32 to vector<64x1024xf32>
    %mul3A_83 = arith.mulf %mul3A_82, %get3A_80 : vector<64x1024xf32>
    %dot_general3A_84 = arith.constant dense<0.000000e+00> : vector<2304x1024xf32>
    %dot_general3A_85 = tpu.matmul %slice3A_75, %mul3A_83, %dot_general3A_84 {dimension_numbers = #tpu.dot_dimension_numbers<[1], [0], [0], [1], [0, 0, 1, 1], [], []>, transpose_lhs_hint = false} : vector<2304x64xf32>, vector<64x1024xf32>, vector<2304x1024xf32> -> vector<2304x1024xf32>
    %mul3A_86 = arith.mulf %slice3A_75, %slice3A_75 : vector<2304x64xf32>
    %reduce_sum3A_87 = arith.constant dense<0.000000e+00> : vector<2304xf32>
    %reduce_sum3A_88 = vector.multi_reduction <add>, %mul3A_86, %reduce_sum3A_87 [1] : vector<2304x64xf32> to vector<2304xf32>
    %broadcast_in_dim3A_89 = vector.shape_cast %reduce_sum3A_88 : vector<2304xf32> to vector<2304x1xf32>
    %mul3A_90 = arith.mulf %get3A_80, %get3A_80 : vector<64x1024xf32>
    %reduce_sum3A_91 = arith.constant dense<0.000000e+00> : vector<1024xf32>
    %reduce_sum3A_92 = vector.multi_reduction <add>, %mul3A_90, %reduce_sum3A_91 [0] : vector<64x1024xf32> to vector<1024xf32>
    %broadcast_in_dim3A_93 = vector.shape_cast %reduce_sum3A_92 : vector<1024xf32> to vector<1x1024xf32>
    %add3A_94 = vector.broadcast %broadcast_in_dim3A_89 : vector<2304x1xf32> to vector<2304x1024xf32>
    %add3A_95 = arith.addf %add3A_94, %dot_general3A_85 : vector<2304x1024xf32>
    %add3A_96 = vector.broadcast %broadcast_in_dim3A_93 : vector<1x1024xf32> to vector<2304x1024xf32>
    %add3A_97 = arith.addf %add3A_95, %add3A_96 : vector<2304x1024xf32>
    %argmin3A_98 = tpu.reduce_index %add3A_97 {axis = 1 : i32, kind = #tpu.reduction_kind<arg_min>} : vector<2304x1024xf32> -> vector<2304xi32>
    %reshape3A_99 = vector.shape_cast %argmin3A_98 : vector<2304xi32> to vector<18x128xi32>
    %swap3A_100 = arith.constant 2 : index
    %swap3A_101 = arith.constant 0 : index
    %swap3A_102 = arith.constant 0 : index
    %swap3A_103 = vector.load %arg3[%swap3A_100, %swap3A_101, %swap3A_102] : memref<4x18x128xi32, #tpu.memory_space<vmem>>, vector<1x18x128xi32>
    %swap3A_104 = vector.shape_cast %swap3A_103 : vector<1x18x128xi32> to vector<18x128xi32>
    %swap3A_105 = vector.shape_cast %reshape3A_99 : vector<18x128xi32> to vector<1x18x128xi32>
    tpu.vector_store %arg3[%swap3A_100, %swap3A_101, %swap3A_102], %swap3A_105 {strides = array<i32>} : memref<4x18x128xi32, #tpu.memory_space<vmem>>, vector<1x18x128xi32>,
    %add3A_106 = arith.constant 2048 : i32
    %add3A_107 = vector.broadcast %add3A_106 : i32 to vector<2304xi32>
    %add3A_108 = arith.addi %argmin3A_98, %add3A_107 : vector<2304xi32>
    %reshape3A_109 = vector.shape_cast %add3A_108 : vector<2304xi32> to vector<18x128xi32>
    %swap3A_110 = arith.constant 2 : index
    %swap3A_111 = arith.constant 0 : index
    %swap3A_112 = arith.constant 0 : index
    %swap3A_113 = vector.load %arg4[%swap3A_110, %swap3A_111, %swap3A_112] : memref<4x18x128xi32, #tpu.memory_space<vmem>>, vector<1x18x128xi32>
    %swap3A_114 = vector.shape_cast %swap3A_113 : vector<1x18x128xi32> to vector<18x128xi32>
    %swap3A_115 = vector.shape_cast %reshape3A_109 : vector<18x128xi32> to vector<1x18x128xi32>
    tpu.vector_store %arg4[%swap3A_110, %swap3A_111, %swap3A_112], %swap3A_115 {strides = array<i32>} : memref<4x18x128xi32, #tpu.memory_space<vmem>>, vector<1x18x128xi32>,
    %slice3A_116 = vector.extract_strided_slice %get3A_1 {offsets = [0, 192], sizes = [2304, 64], strides = [1, 1]} : vector<2304x256xf32> to vector<2304x64xf32>
    %get3A_117 = arith.constant 3 : index
    %get3A_118 = arith.constant 0 : index
    %get3A_119 = arith.constant 0 : index
    %get3A_120 = vector.load %arg2[%get3A_117, %get3A_118, %get3A_119] : memref<4x64x1024xf32, #tpu.memory_space<vmem>>, vector<1x64x1024xf32>
    %get3A_121 = vector.shape_cast %get3A_120 : vector<1x64x1024xf32> to vector<64x1024xf32>
    %mul3A_122 = arith.constant -2.000000e+00 : f32
    %mul3A_123 = vector.broadcast %mul3A_122 : f32 to vector<64x1024xf32>
    %mul3A_124 = arith.mulf %mul3A_123, %get3A_121 : vector<64x1024xf32>
    %dot_general3A_125 = arith.constant dense<0.000000e+00> : vector<2304x1024xf32>
    %dot_general3A_126 = tpu.matmul %slice3A_116, %mul3A_124, %dot_general3A_125 {dimension_numbers = #tpu.dot_dimension_numbers<[1], [0], [0], [1], [0, 0, 1, 1], [], []>, transpose_lhs_hint = false} : vector<2304x64xf32>, vector<64x1024xf32>, vector<2304x1024xf32> -> vector<2304x1024xf32>
    %mul3A_127 = arith.mulf %slice3A_116, %slice3A_116 : vector<2304x64xf32>
    %reduce_sum3A_128 = arith.constant dense<0.000000e+00> : vector<2304xf32>
    %reduce_sum3A_129 = vector.multi_reduction <add>, %mul3A_127, %reduce_sum3A_128 [1] : vector<2304x64xf32> to vector<2304xf32>
    %broadcast_in_dim3A_130 = vector.shape_cast %reduce_sum3A_129 : vector<2304xf32> to vector<2304x1xf32>
    %mul3A_131 = arith.mulf %get3A_121, %get3A_121 : vector<64x1024xf32>
    %reduce_sum3A_132 = arith.constant dense<0.000000e+00> : vector<1024xf32>
    %reduce_sum3A_133 = vector.multi_reduction <add>, %mul3A_131, %reduce_sum3A_132 [0] : vector<64x1024xf32> to vector<1024xf32>
    %broadcast_in_dim3A_134 = vector.shape_cast %reduce_sum3A_133 : vector<1024xf32> to vector<1x1024xf32>
    %add3A_135 = vector.broadcast %broadcast_in_dim3A_130 : vector<2304x1xf32> to vector<2304x1024xf32>
    %add3A_136 = arith.addf %add3A_135, %dot_general3A_126 : vector<2304x1024xf32>
    %add3A_137 = vector.broadcast %broadcast_in_dim3A_134 : vector<1x1024xf32> to vector<2304x1024xf32>
    %add3A_138 = arith.addf %add3A_136, %add3A_137 : vector<2304x1024xf32>
    %argmin3A_139 = tpu.reduce_index %add3A_138 {axis = 1 : i32, kind = #tpu.reduction_kind<arg_min>} : vector<2304x1024xf32> -> vector<2304xi32>
    %reshape3A_140 = vector.shape_cast %argmin3A_139 : vector<2304xi32> to vector<18x128xi32>
    %swap3A_141 = arith.constant 3 : index
    %swap3A_142 = arith.constant 0 : index
    %swap3A_143 = arith.constant 0 : index
    %swap3A_144 = vector.load %arg3[%swap3A_141, %swap3A_142, %swap3A_143] : memref<4x18x128xi32, #tpu.memory_space<vmem>>, vector<1x18x128xi32>
    %swap3A_145 = vector.shape_cast %swap3A_144 : vector<1x18x128xi32> to vector<18x128xi32>
    %swap3A_146 = vector.shape_cast %reshape3A_140 : vector<18x128xi32> to vector<1x18x128xi32>
    tpu.vector_store %arg3[%swap3A_141, %swap3A_142, %swap3A_143], %swap3A_146 {strides = array<i32>} : memref<4x18x128xi32, #tpu.memory_space<vmem>>, vector<1x18x128xi32>,
    %add3A_147 = arith.constant 3072 : i32
    %add3A_148 = vector.broadcast %add3A_147 : i32 to vector<2304xi32>
    %add3A_149 = arith.addi %argmin3A_139, %add3A_148 : vector<2304xi32>
    %reshape3A_150 = vector.shape_cast %add3A_149 : vector<2304xi32> to vector<18x128xi32>
    %swap3A_151 = arith.constant 3 : index
    %swap3A_152 = arith.constant 0 : index
    %swap3A_153 = arith.constant 0 : index
    %swap3A_154 = vector.load %arg4[%swap3A_151, %swap3A_152, %swap3A_153] : memref<4x18x128xi32, #tpu.memory_space<vmem>>, vector<1x18x128xi32>
    %swap3A_155 = vector.shape_cast %swap3A_154 : vector<1x18x128xi32> to vector<18x128xi32>
    %swap3A_156 = vector.shape_cast %reshape3A_150 : vector<18x128xi32> to vector<1x18x128xi32>
    tpu.vector_store %arg4[%swap3A_151, %swap3A_152, %swap3A_153], %swap3A_156 {strides = array<i32>} : memref<4x18x128xi32, #tpu.memory_space<vmem>>, vector<1x18x128xi32>,
    return
  }
  func.func @transform_0(%arg0: i32) -> (i32, i32) {
    %c0_i32 = arith.constant 0 : i32
    %c0_i32_0 = arith.constant 0 : i32
    return %arg0, %c0_i32 : i32, i32
  }
  func.func @transform_1(%arg0: i32) -> (i32, i32, i32) {
    %c0_i32 = arith.constant 0 : i32
    %c0_i32_0 = arith.constant 0 : i32
    %c0_i32_1 = arith.constant 0 : i32
    %c0_i32_2 = arith.constant 0 : i32
    return %c0_i32, %c0_i32_0, %c0_i32_1 : i32, i32, i32
  }
  func.func @transform_2(%arg0: i32) -> (i32, i32, i32) {
    %c0_i32 = arith.constant 0 : i32
    %c0_i32_0 = arith.constant 0 : i32
    %c0_i32_1 = arith.constant 0 : i32
    return %arg0, %c0_i32, %c0_i32_0 : i32, i32, i32
  }
  func.func @transform_3(%arg0: i32) -> (i32, i32, i32) {
    %c0_i32 = arith.constant 0 : i32
    %c0_i32_0 = arith.constant 0 : i32
    %c0_i32_1 = arith.constant 0 : i32
    return %arg0, %c0_i32, %c0_i32_0 : i32, i32, i32
  }
}

module attributes {stable_mosaic.version = 14 : i64} {
  func.func @_tc_final_body(%arg0: i32, %arg1: memref<1152x256xf32, #tpu.memory_space<vmem>>, %arg2: memref<2304x128xf32, #tpu.memory_space<vmem>>, %arg3: memref<8x4x1024xf32, #tpu.memory_space<vmem>>, %arg4: memref<1152x256xf32, #tpu.memory_space<vmem>>, %arg5: memref<1x1xf32, #tpu.memory_space<vmem>>, %arg6: memref<1x1xf32, #tpu.memory_space<vmem>>) attributes {dimension_semantics = [#tpu.dimension_semantics<arbitrary>], iteration_bounds = array<i64: 8>, scalar_prefetch = 0 : i64, scratch_operands = 0 : i64, tpu.core_type = #tpu.core_type<tc>, window_params = [{transform_indices = @transform_0, window_bounds = array<i64: 1152, 256>}, {transform_indices = @transform_1, window_bounds = array<i64: 2304, 128>}, {pipeline_mode = #tpu.pipeline_mode<synchronous>, transform_indices = @transform_2, window_bounds = array<i64: 8, 4, 1024>}, {transform_indices = @transform_3, window_bounds = array<i64: 1152, 256>}, {pipeline_mode = #tpu.pipeline_mode<synchronous>, transform_indices = @transform_4, window_bounds = array<i64: 1, 1>}, {pipeline_mode = #tpu.pipeline_mode<synchronous>, transform_indices = @transform_5, window_bounds = array<i64: 1, 1>}]} {
    %eq3A = arith.constant 0 : i32
    %eq3A_0 = arith.cmpi eq, %arg0, %eq3A : i32
    %convert_element_type3A = arith.extui %eq3A_0 : i1 to i32
    %cond3A = arith.constant 0 : i32
    %cond3A_1 = arith.cmpi ne, %convert_element_type3A, %cond3A : i32
    scf.if %cond3A_1 {
      %broadcast_in_dim3A = arith.constant 0.000000e+00 : f32
      %broadcast_in_dim3A_25 = vector.broadcast %broadcast_in_dim3A : f32 to vector<1x1xf32>
      %swap3A_26 = arith.constant 0 : index
      %swap3A_27 = arith.constant 0 : index
      %swap3A_28 = vector.load %arg5[%swap3A_26, %swap3A_27] : memref<1x1xf32, #tpu.memory_space<vmem>>, vector<1x1xf32>
      tpu.vector_store %arg5[%swap3A_26, %swap3A_27], %broadcast_in_dim3A_25 {strides = array<i32>} : memref<1x1xf32, #tpu.memory_space<vmem>>, vector<1x1xf32>,
      %broadcast_in_dim3A_29 = arith.constant 0.000000e+00 : f32
      %broadcast_in_dim3A_30 = vector.broadcast %broadcast_in_dim3A_29 : f32 to vector<1x1xf32>
      %swap3A_31 = arith.constant 0 : index
      %swap3A_32 = arith.constant 0 : index
      %swap3A_33 = vector.load %arg6[%swap3A_31, %swap3A_32] : memref<1x1xf32, #tpu.memory_space<vmem>>, vector<1x1xf32>
      tpu.vector_store %arg6[%swap3A_31, %swap3A_32], %broadcast_in_dim3A_30 {strides = array<i32>} : memref<1x1xf32, #tpu.memory_space<vmem>>, vector<1x1xf32>,
    } else {
    }
    %get3A = arith.constant 0 : index
    %get3A_2 = arith.constant 0 : index
    %get3A_3 = vector.load %arg2[%get3A, %get3A_2] : memref<2304x128xf32, #tpu.memory_space<vmem>>, vector<2304x128xf32>
    %reshape3A = vector.shape_cast %get3A_3 : vector<2304x128xf32> to vector<1152x256xf32>
    %swap3A = arith.constant 0 : index
    %swap3A_4 = arith.constant 0 : index
    %swap3A_5 = vector.load %arg4[%swap3A, %swap3A_4] : memref<1152x256xf32, #tpu.memory_space<vmem>>, vector<1152x256xf32>
    tpu.vector_store %arg4[%swap3A, %swap3A_4], %reshape3A {strides = array<i32>} : memref<1152x256xf32, #tpu.memory_space<vmem>>, vector<1152x256xf32>,
    %get3A_6 = arith.constant 0 : index
    %get3A_7 = arith.constant 0 : index
    %get3A_8 = vector.load %arg1[%get3A_6, %get3A_7] : memref<1152x256xf32, #tpu.memory_space<vmem>>, vector<1152x256xf32>
    %sub3A = arith.subf %reshape3A, %get3A_8 : vector<1152x256xf32>
    %mul3A = arith.mulf %sub3A, %sub3A : vector<1152x256xf32>
    %reduce_sum3A = vector.shape_cast %mul3A : vector<1152x256xf32> to vector<1x1152x256xf32>
    %reduce_sum3A_9 = arith.constant dense<0.000000e+00> : vector<1xf32>
    %reduce_sum3A_10 = vector.multi_reduction <add>, %reduce_sum3A, %reduce_sum3A_9 [1, 2] : vector<1x1152x256xf32> to vector<1xf32>
    %reduce_sum3A_11 = vector.shape_cast %reduce_sum3A_10 : vector<1xf32> to vector<1x1x1xf32>
    %reduce_sum3A_12 = vector.extract %reduce_sum3A_11[0, 0, 0] : f32 from vector<1x1x1xf32>
    %reshape3A_13 = vector.broadcast %reduce_sum3A_12 : f32 to vector<1x1xf32>
    %get3A_14 = arith.constant 0 : index
    %get3A_15 = arith.constant 0 : index
    %get3A_16 = vector.load %arg5[%get3A_14, %get3A_15] : memref<1x1xf32, #tpu.memory_space<vmem>>, vector<1x1xf32>
    %add3A = arith.addf %get3A_16, %reshape3A_13 : vector<1x1xf32>
    %swap3A_17 = arith.constant 0 : index
    %swap3A_18 = arith.constant 0 : index
    %swap3A_19 = vector.load %arg5[%swap3A_17, %swap3A_18] : memref<1x1xf32, #tpu.memory_space<vmem>>, vector<1x1xf32>
    tpu.vector_store %arg5[%swap3A_17, %swap3A_18], %add3A {strides = array<i32>} : memref<1x1xf32, #tpu.memory_space<vmem>>, vector<1x1xf32>,
    %eq3A_20 = arith.constant 7 : i32
    %eq3A_21 = arith.cmpi eq, %arg0, %eq3A_20 : i32
    %convert_element_type3A_22 = arith.extui %eq3A_21 : i1 to i32
    %cond3A_23 = arith.constant 0 : i32
    %cond3A_24 = arith.cmpi ne, %convert_element_type3A_22, %cond3A_23 : i32
    scf.if %cond3A_24 {
      %get3A_25 = arith.constant 0 : index
      %get3A_26 = arith.constant 0 : index
      %get3A_27 = vector.load %arg5[%get3A_25, %get3A_26] : memref<1x1xf32, #tpu.memory_space<vmem>>, vector<1x1xf32>
      %mul3A_28 = arith.constant 4.23855255E-7 : f32
      %mul3A_29 = vector.broadcast %mul3A_28 : f32 to vector<1x1xf32>
      %mul3A_30 = arith.mulf %get3A_27, %mul3A_29 : vector<1x1xf32>
      %swap3A_31 = arith.constant 0 : index
      %swap3A_32 = arith.constant 0 : index
      %swap3A_33 = vector.load %arg5[%swap3A_31, %swap3A_32] : memref<1x1xf32, #tpu.memory_space<vmem>>, vector<1x1xf32>
      tpu.vector_store %arg5[%swap3A_31, %swap3A_32], %mul3A_30 {strides = array<i32>} : memref<1x1xf32, #tpu.memory_space<vmem>>, vector<1x1xf32>,
      %get3A_34 = arith.constant 0 : index
      %get3A_35 = arith.constant 0 : index
      %get3A_36 = arith.constant 0 : index
      %get3A_37 = vector.load %arg3[%get3A_34, %get3A_35, %get3A_36] : memref<8x4x1024xf32, #tpu.memory_space<vmem>>, vector<8x4x1024xf32>
      %reduce_sum3A_38 = arith.constant dense<0.000000e+00> : vector<4x1024xf32>
      %reduce_sum3A_39 = vector.multi_reduction <add>, %get3A_37, %reduce_sum3A_38 [0] : vector<8x4x1024xf32> to vector<4x1024xf32>
      %mul3A_40 = arith.constant 1.08506945E-4 : f32
      %mul3A_41 = vector.broadcast %mul3A_40 : f32 to vector<4x1024xf32>
      %mul3A_42 = arith.mulf %reduce_sum3A_39, %mul3A_41 : vector<4x1024xf32>
      %add3A_43 = arith.constant 1.000000e-10 : f32
      %add3A_44 = vector.broadcast %add3A_43 : f32 to vector<4x1024xf32>
      %add3A_45 = arith.addf %mul3A_42, %add3A_44 : vector<4x1024xf32>
      %log3A = math.log %add3A_45 : vector<4x1024xf32>
      %mul3A_46 = arith.mulf %mul3A_42, %log3A : vector<4x1024xf32>
      %reduce_sum3A_47 = arith.constant dense<0.000000e+00> : vector<4xf32>
      %reduce_sum3A_48 = vector.multi_reduction <add>, %mul3A_46, %reduce_sum3A_47 [1] : vector<4x1024xf32> to vector<4xf32>
      %neg3A = arith.constant 0.000000e+00 : f32
      %neg3A_49 = vector.broadcast %neg3A : f32 to vector<4xf32>
      %neg3A_50 = arith.subf %neg3A_49, %reduce_sum3A_48 : vector<4xf32>
      %exp3A = math.exp %neg3A_50 : vector<4xf32>
      %reduce_sum3A_51 = vector.shape_cast %exp3A : vector<4xf32> to vector<1x4xf32>
      %reduce_sum3A_52 = arith.constant dense<0.000000e+00> : vector<1xf32>
      %reduce_sum3A_53 = vector.multi_reduction <add>, %reduce_sum3A_51, %reduce_sum3A_52 [1] : vector<1x4xf32> to vector<1xf32>
      %reduce_sum3A_54 = vector.shape_cast %reduce_sum3A_53 : vector<1xf32> to vector<1x1xf32>
      %reduce_sum3A_55 = vector.extract %reduce_sum3A_54[0, 0] : f32 from vector<1x1xf32>
      %div3A = arith.constant 4.000000e+00 : f32
      %div3A_56 = arith.divf %reduce_sum3A_55, %div3A : f32
      %reshape3A_57 = vector.broadcast %div3A_56 : f32 to vector<1x1xf32>
      %swap3A_58 = arith.constant 0 : index
      %swap3A_59 = arith.constant 0 : index
      %swap3A_60 = vector.load %arg6[%swap3A_58, %swap3A_59] : memref<1x1xf32, #tpu.memory_space<vmem>>, vector<1x1xf32>
      tpu.vector_store %arg6[%swap3A_58, %swap3A_59], %reshape3A_57 {strides = array<i32>} : memref<1x1xf32, #tpu.memory_space<vmem>>, vector<1x1xf32>,
    } else {
    }
    return
  }
  func.func @transform_0(%arg0: i32) -> (i32, i32) {
    %c0_i32 = arith.constant 0 : i32
    %c0_i32_0 = arith.constant 0 : i32
    return %arg0, %c0_i32 : i32, i32
  }
  func.func @transform_1(%arg0: i32) -> (i32, i32) {
    %c0_i32 = arith.constant 0 : i32
    %c0_i32_0 = arith.constant 0 : i32
    return %arg0, %c0_i32 : i32, i32
  }
  func.func @transform_2(%arg0: i32) -> (i32, i32, i32) {
    %c0_i32 = arith.constant 0 : i32
    %c0_i32_0 = arith.constant 0 : i32
    %c0_i32_1 = arith.constant 0 : i32
    %c0_i32_2 = arith.constant 0 : i32
    return %c0_i32, %c0_i32_0, %c0_i32_1 : i32, i32, i32
  }
  func.func @transform_3(%arg0: i32) -> (i32, i32) {
    %c0_i32 = arith.constant 0 : i32
    %c0_i32_0 = arith.constant 0 : i32
    return %arg0, %c0_i32 : i32, i32
  }
  func.func @transform_4(%arg0: i32) -> (i32, i32) {
    %c0_i32 = arith.constant 0 : i32
    %c0_i32_0 = arith.constant 0 : i32
    %c0_i32_1 = arith.constant 0 : i32
    return %c0_i32, %c0_i32_0 : i32, i32
  }
  func.func @transform_5(%arg0: i32) -> (i32, i32) {
    %c0_i32 = arith.constant 0 : i32
    %c0_i32_0 = arith.constant 0 : i32
    %c0_i32_1 = arith.constant 0 : i32
    return %c0_i32, %c0_i32_0 : i32, i32
  }
}

</mosaic_0001>

<sc_bundles>
// kernel: kernel.5.cloned.1.call-start
scs
__scs_entry_jumppad:
0x0: {  	(pc) =	sbr.rel $0x88, $3  }
0x1: {  	(tag) =	ssettag $0x0;
	lr =	simm.s32 $0x1  }
0x2: {  	[smem:$0x3F9F] =	sst lr;
	_ =	strace $0xD0000000  }
0x3: {  	_ = 	snop  }
0x4: {  	_ = 	snop  }
0x5: {  	_ = 	snop  }
0x6: {  	_ = 	snop  }
0x7: {  	_ = 	snop  }
__scs_overlays_trampoline_lowered:
0x8: {  	[smem:$0x3FAE] =	sst s0  }
0x9: {  	[smem:$0x3FAF] =	sst s1  }
0xa: {  	[smem:$0x3FB0] =	sst s2  }
0xb: {  	[smem:$0x3FB1] =	sst s3  }
0xc: {  	[smem:$0x3FB2] =	sst s4  }
0xd: {  	[smem:$0x3FB3] =	sst s5  }
0xe: {  	[smem:$0x3FB4] =	sst s6  }
0xf: {  	[smem:$0x3FB5] =	sst s7  }
0x10: {  	[smem:$0x3FB6] =	sst s8  }
0x11: {  	[smem:$0x3FB7] =	sst s9;
	s0 =	simm.s32 @!p0 $0x0  }
0x12: {  	s1 =	sld [smem:$0x3F9D];
	s0 =	simm.s32 @p0 $0x1  }
0x13: {  	[smem:$0x3FB8] =	sst s0;
	s0 =	simm.s32 @!p1 $0x0  }
0x14: {  	s2 =	sld [smem:$0x3F9C];
	s0 =	simm.s32 @p1 $0x1  }
0x15: {  	[smem:$0x3FB9] =	sst s0;
	s0 =	simm.s32 @!p2 $0x0  }
0x16: {  	s3 =	sld [smem:$0x3FDB];
	s0 =	simm.s32 @p2 $0x1  }
0x17: {  	s4 =	simm.s32 $0x1BF5;
	[smem:$0x3FBB] =	sst s0  }
0x18: {  	s0 =	sld [smem:$0x3F9E];
	_ =	swait.ge [sflag:s4], $0x0  }
0x19: {  	s7 =	sld [smem:$0x3F9F]  }
0x1a: {  	s8 =	sadd.s32 $0xFFFFE003, lr  }
0x1b: {  	s9 =	sadd.s32 $0xFFFFFEF7, lr;
	s5 =	simm.s32 $0xFFFFFFFF;
	p2 =	slt.u32 s8, $0xFFFFF086  }
0x1c: {  	p1 =	slt.u32 s9, $0xF7A;
	s5 =	simm.s32 @!p2 $0x0  }
0x1d: {  	s5 =	simm.s32 @p1 $0x1;
	p0 =	seq.s32 s7, s2  }
0x1e: {  	s7 =	smul.u32 @!p0 $0xF7A, s2;
	p2 =	seq.s32 @!p0 s5, $0x0  }
0x1f: {  	s9 =	smul.u32 $0xF7A, s1;
	s8 =	simm.s32 @!p0 $0x1BF5;
	p2 =	por !p2, p0  }
0x20: {  	[sflag:s8] =	ssyncset.s32 @!p0 $0xFFFFF086;
	s6 =	sadd.s32 @!p0 s3, s7;
	s7 =	simm.s32 @!p0 $0x108  }
0x21: {  	s3 =	sadd.s32 s3, s9;
	s6 =	sadd.s32 @!p0 $0x88, s6;
	s7 =	simm.s32 @p2 $0x1082  }
0x22: {  	[simem:s7], [sflag:s8] =	dma.local @!p0 [hbm:s6], $0xF7A  }
0x23: {  	s9 =	sor.u32 $0xD0000000, s2;
	s6 =	simm.s32 $0x108;
	_ =	swait.ge @!p0 [sflag:s8], $0x0  }
0x24: {  	s3 =	sadd.s32 $0x88, s3;
	s6 =	simm.s32 @!p1 $0x1082;
	[sflag:s4] =	ssyncset.s32 $0xFFFFF086  }
0x25: {  	[simem:s6], [sflag:s4] =	dma.local [hbm:s3], $0xF7A  }
0x26: {  	[smem:$0x3F9F] =	sst s1;
	(tag) =	ssettag s2;
	_ =	strace s9  }
0x27: {  	s1 =	sld [smem:$0x3FAF]  }
0x28: {  	s2 =	sld [smem:$0x3FB0]  }
0x29: {  	s4 =	sld [smem:$0x3FB2]  }
0x2a: {  	p0 =	seq.s32 s5, $0x0;
	s5 =	sld [smem:$0x3FB3]  }
0x2b: {  	s6 =	sld [smem:$0x3FB4]  }
0x2c: {  	s7 =	sld [smem:$0x3FB5]  }
0x2d: {  	s3 =	simm.s32 $0x108;
	s8 =	sld [smem:$0x3FB6]  }
0x2e: {  	s3 =	simm.s32 @!p0 $0x1082;
	s9 =	sld [smem:$0x3FB7]  }
0x2f: {  	lr =	sadd.s32 s0, s3;
	s0 =	sld [smem:$0x3FAE]  }
0x30: {  	s3 =	sld [smem:$0x3FB1]  }
0x31: {  	[smem:$0x3FBA] =	sst s10  }
0x32: {  	s10 =	sld [smem:$0x3FB8];
	_ =	sdelay $0x3  }
0x33: {  	p0 =	seq.s32 s10, $0x1;
	s10 =	sld [smem:$0x3FBA];
	_ =	sdelay $0x3  }
0x34: {  	[smem:$0x3FBA] =	sst s10  }
0x35: {  	s10 =	sld [smem:$0x3FB9];
	_ =	sdelay $0x3  }
0x36: {  	p1 =	seq.s32 s10, $0x1;
	s10 =	sld [smem:$0x3FBA];
	_ =	sdelay $0x3  }
0x37: {  	[smem:$0x3FBA] =	sst s10  }
0x38: {  	s10 =	sld [smem:$0x3FBB]  }
0x39: {  	_ = 	snop;
	(pc) =	sbr.ind lr, $3  }
0x3a: {  	_ = 	snop  }
0x3b: {  	_ = 	snop  }
0x3c: {  	p2 =	seq.s32 s10, $0x1;
	s10 =	sld [smem:$0x3FBA]  }
0x3d: {  	_ =	shalt  }
0x3e: {  	_ =	shalt  }
0x3f: {  	_ =	shalt  }
0x40: {  	_ =	shalt  }
0x41: {  	_ =	shalt  }
0x42: {  	_ =	shalt  }
0x43: {  	_ =	shalt  }
0x44: {  	_ =	shalt  }
0x45: {  	_ =	shalt  }
0x46: {  	_ =	shalt  }
0x47: {  	_ =	shalt  }
0x48: {  	_ =	shalt  }
0x49: {  	_ =	shalt  }
0x4a: {  	_ =	shalt  }
0x4b: {  	_ =	shalt  }
0x4c: {  	_ =	shalt  }
0x4d: {  	_ =	shalt  }
0x4e: {  	_ =	shalt  }
0x4f: {  	_ =	shalt  }
0x50: {  	_ =	shalt  }
0x51: {  	_ =	shalt  }
0x52: {  	_ =	shalt  }
0x53: {  	_ =	shalt  }
0x54: {  	_ =	shalt  }
0x55: {  	_ =	shalt  }
0x56: {  	_ =	shalt  }
0x57: {  	_ =	shalt  }
0x58: {  	_ =	shalt  }
0x59: {  	_ =	shalt  }
0x5a: {  	_ =	shalt  }
0x5b: {  	_ =	shalt  }
0x5c: {  	_ =	shalt  }
0x5d: {  	_ =	shalt  }
0x5e: {  	_ =	shalt  }
0x5f: {  	_ =	shalt  }
0x60: {  	_ =	shalt  }
0x61: {  	_ =	shalt  }
0x62: {  	_ =	shalt  }
0x63: {  	_ =	shalt  }
0x64: {  	_ =	shalt  }
0x65: {  	_ =	shalt  }
0x66: {  	_ =	shalt  }
0x67: {  	_ =	shalt  }
0x68: {  	_ =	shalt  }
0x69: {  	_ =	shalt  }
0x6a: {  	_ =	shalt  }
0x6b: {  	_ =	shalt  }
0x6c: {  	_ =	shalt  }
0x6d: {  	_ =	shalt  }
0x6e: {  	_ =	shalt  }
0x6f: {  	_ =	shalt  }
0x70: {  	_ =	shalt  }
0x71: {  	_ =	shalt  }
0x72: {  	_ =	shalt  }
0x73: {  	_ =	shalt  }
0x74: {  	_ =	shalt  }
0x75: {  	_ =	shalt  }
0x76: {  	_ =	shalt  }
0x77: {  	_ =	shalt  }
0x78: {  	_ =	shalt  }
0x79: {  	_ =	shalt  }
0x7a: {  	_ =	shalt  }
0x7b: {  	_ =	shalt  }
0x7c: {  	_ =	shalt  }
0x7d: {  	_ =	shalt  }
0x7e: {  	_ =	shalt  }
0x7f: {  	_ =	shalt  }
0x80: {  	_ =	shalt  }
0x81: {  	_ =	shalt  }
0x82: {  	_ =	shalt  }
0x83: {  	_ =	shalt  }
0x84: {  	_ =	shalt  }
0x85: {  	_ =	shalt  }
0x86: {  	_ =	shalt  }
0x87: {  	_ =	shalt  }
.Lfunc_end0:
.L_simem_size_0:
called_computation_lowered:
.L_overlay_start_0:
0x88: {  	s2 =	sld [smem:$0x3FD9]  }
0x89: {  	s3 =	sld [smem:$0x3FFE];
	_ =	sdelay $0x1  }
0x8a: {  	s1 =	srdreg.scid  }
0x8b: {  	s0 =	sand.u32 $0x1, s1  }
0x8c: {  	s14 =	sshll.u32 s0, $0xA;
	s2 =	sadd.s32 s3, s2  }
0x8d: {  	s2 =	sadd.s32 s2, s14  }
0x8e: {  	[smem:$0x3FC6] =	sst s2  }
0x8f: {  	_ = 	snop  }
0x90: {  	s2 =	sld [smem:$0x3FD0];
	_ =	sdelay $0x2  }
0x91: {  	s15 =	simm.s32 $0xA;
	s4 =	simm.s32 $0x10  }
0x92: {  	[smem:s4], [sflag:s15] =	dma.local [hbm:s2], $0x1  }
0x93: {  	_ =	swait.eq [sflag:s15], $0x1  }
0x94: {  	[sflag:s15] =	ssyncset.done $0x0  }
0x95: {  	[sflag:s15] =	ssyncadd.s32 $0xFFFFFFFF  }
0x96: {  	s16 =	sld [smem:$0x10];
	(tm) =	ssettm $0x1  }
0x97: {  	s17 =	sld [smem:$0x3FFB];
	_ =	sdelay $0x3  }
0x98: {  	_ =	strace s17  }
0x99: {  	s3 =	sld [smem:$0x3FFC];
	_ =	sdelay $0x3  }
0x9a: {  	_ =	strace s3  }
0x9b: {  	s3 =	sld [smem:$0x3FFD];
	_ =	sdelay $0x3  }
0x9c: {  	_ =	strace s3  }
0x9d: {  	_ =	strace $0x8FFFFFFF  }
0x9e: {  	s18 =	sld [smem:$0x3FDB];
	_ =	sdelay $0x1  }
0x9f: {  	s19 =	simm.s32 $_scs_section_size  }
0xa0: {  	s5 =	simm.s32 $_size__tile_overlayer_lowered;
	s6 =	simm.s32 $_tile_overlayer_lowered  }
0xa1: {  	s22 =	simm.s32 $0x1BFF;
	s21 =	sshll.u32 s6, $0x1;
	s3 =	sadd.s32 s19, s18  }
0xa2: {  	s7 =	simm.s32 $0x0;
	s20 =	sshll.u32 s5, $0x1;
	s5 =	sadd.s32 s21, s3  }
0xa3: {  	[timem:s7], [sflag:s22] =	dma.local [hbm:s5], s20  }
0xa4: {  	_ =	swait.ge [sflag:s22], s20  }
0xa5: {  	s4 =	ssub.s32 $0x0, s20;
	[sflag:s22] =	ssyncset.done $0x0  }
0xa6: {  	[sflag:s22] =	ssyncadd.s32 s4;
	_ =	sdelay $0x1  }
0xa7: {  	s23 =	simm.s32 $0x1B8B  }
0xa8: {  	_ =	swait.ge [sflag:s23], $0x1  }
0xa9: {  	[sflag:s23] =	ssyncset.done $0x0  }
0xaa: {  	s25 =	simm.s32 $0x1B8E;
	s24 =	sld [smem:$0x3FFE];
	[sflag:s23] =	ssyncadd.s32 $0xFFFFFFFF  }
0xab: {  	s26 =	simm.s32 $execute0_lowered;
	[smem:$0x3FD2] =	sst s25  }
0xac: {  	s5 =	sshll.u32 s26, $0x1;
	_ =	strace $0x80000046;
	[dreg:$0x1] =	wrdreg $0xFFFFFFFF  }
0xad: {  	s28 =	simm.s32 $_size_execute0_lowered;
	s3 =	sadd.s32 s3, s5;
	[dreg:$0x0] =	wrdreg $0x0  }
0xae: {  	s5 =	sshll.u32 s28, $0x1;
	[dreg:$0x2] =	wrdreg s3  }
0xaf: {  	[dreg:$0x3] =	wrdreg s5  }
0xb0: {  	[dreg:$0x4] =	wrdreg $0xC0  }
0xb1: {  	_ =	task [dreg:s7], $0x5FFFF  }
0xb2: {  	[dreg:$0x1] =	wrdreg $0xFFFFFFFF  }
0xb3: {  	[dreg:$0x0] =	wrdreg $0x60  }
0xb4: {  	[dreg:$0x2] =	wrdreg s24  }
0xb5: {  	[dreg:$0x3] =	wrdreg s16  }
0xb6: {  	[dreg:$0x4] =	wrdreg $0x128800  }
0xb7: {  	[dreg:$0x5] =	wrdreg $0x9  }
0xb8: {  	_ =	task.clear_ibuf [dreg:s7], $0x6FFFF;
	_ =	strace $0x90000046  }
0xb9: {  	s29 =	simm.s32 $0x9;
	_ =	strace $0x80000048  }
0xba: {  	_ =	swait.ge [sflag:s29], $0x1  }
0xbb: {  	[sflag:s29] =	ssyncadd.s32 $0xFFFFFFFF  }
0xbc: {  	_ =	strace $0x90000048  }
0xbd: {  	_ =	sfence  }
0xbe: {  	s30 =	sld [smem:$0x0];
	_ =	sdelay $0x2  }
0xbf: {  	s31 =	sshll.u32 s1, $0xD;
	s1 =	sshrl.u32 s1, $0x2  }
0xc0: {  	s3 =	sand.u32 $0x4000, s31;
	s1 =	sadd.s32 s1, s30  }
0xc1: {  	s0 =	sor.u32 s3, s0;
	s1 =	sshll.u32 s1, $0x11  }
0xc2: {  	s0 =	sor.u32 s1, s0  }
0xc3: {  	s0 =	sadd.s32 $0x8F2B, s0  }
0xc4: {  	[sflag:s0] =	ssyncadd.remote.s32 $0x1  }
0xc5: {  	_ =	sfence.sel $0xFFFF  }
0xc6: {  	[dreg:$0x0] =	wrdreg $0xFFFFFFFF;
	(pc) =	sbr.abs _section_cstart, $3  }
0xc7: {  	[dreg:$0x1] =	wrdreg $0xFFFFFFFF  }
0xc8: {  	_ =	task.clear_ibuf [dreg:s7], $0x2FFFF;
	_ =	strace $0x9FFFFFFF  }
0xc9: {  	(tm) =	ssettm $0x7FFFFFFF  }
tec
execute0_lowered:
.L_overlay_start_1:
0x0: {  	(tag) =	ssettag $0x1  }
0x1: {  	s8 =	stileid.u32;
	s4 =	rddreg [dreg:$0x0]  }
0x2: {  	s0 =	srdreg.scid;
	s6 =	rddreg [dreg:$0x1];
	s10 =	simm.s32 $0x480  }
0x3: {  	s13 =	simm.s32 $0x4480;
	s14 =	simm.s32 $0x180;
	s15 =	simm.s32 $0x6480  }
0x4: {  	s16 =	simm.s32 $0x200;
	s17 =	simm.s32 $0x8480;
	s18 =	simm.s32 $0x280  }
0x5: {  	s19 =	simm.s32 $0xA480;
	s20 =	simm.s32 $0x300;
	s21 =	simm.s32 $0xC480  }
0x6: {  	s22 =	simm.s32 $0x380;
	s23 =	simm.s32 $0xE480;
	s24 =	simm.s32 $0x400  }
0x7: {  	s25 =	simm.s32 $0x10480;
	s28 =	simm.s32 $0x1;
	s29 =	simm.s32 $0x40  }
0x8: {  	s1 =	sshll.u32 s8, $0x1;
	s5 =	sand.u32 $0x1, s0;
	s7 =	sshrl.u32 s8, $0x1  }
0x9: {  	s30 =	sand.u32 $0xC, s8;
	s0 =	rddreg [dreg:$0x2];
	s11 =	sadd.s32 $0x2600, s4  }
0xa: {  	s26 =	sand.u32 $0x2, s1;
	s2 =	sand.u32 $0x1, s7;
	s31 =	sshll.u32 s7, $0xC  }
0xb: {  	s7 =	smul.u32 $0x48000, s7;
	s9 =	sor.u32 s5, s26;
	p0 =	seq.s32 s2, $0x1  }
0xc: {  	s2 =	simm.s32 $0x0;
	s5 =	ssub.s32 $0x2, s5;
	s1 =	sor.u32 s30, s9  }
0xd: {  	s10 =	simm.s32 @!p0 $0x0;
	[smem:$0x7FF] =	sst s2;
	s26 =	sshll.u32 s9, $0xA  }
0xe: {  	s12 =	sshrl.u32 s5, $0x1;
	s9 =	sshll.u32 s9, $0x6;
	p0 =	sne.s32 s8, $0x0  }
0xf: {  	s3 =	smul.u32 $0x900, s1;
	s1 =	rddreg [dreg:$0x3];
	_ =	strace $0x80000047  }
0x10: {  	[dreg:$0x4] =	wrdreg s11;
	s11 =	sor.u32 s31, s26;
	s12 =	ssub.s32 s5, s12  }
0x11: {  	s7 =	sor.u32 s7, s9;
	s8 =	sshrl.u32 @!p0 s0, $0x3;
	s9 =	simm.s32 $0x2  }
0x12: {  	v0 =	vmov s26;
	s26 =	simm.s32 $0x12480;
	s11 =	sshrl.u32 s11, $0x3;
	s7 =	sshrl.u32 s7, $0x3  }
0x13: {  	s3 =	sadd.s32 s10, s3;
	s11 =	sadd.s32 s11, s4;
	s6 =	sadd.s32 s6, s7  }
0x14: {  	s7 =	smax.u32 s12, $0x1;
	s12 =	simm.s32 $0x100;
	s10 =	sshrl.u32 s3, $0x3  }
0x15: {  	s3 =	simm.s32 $0x480;
	s5 =	sadd.s32 $0xA600, s11;
	s10 =	sadd.s32 s10, s4  }
0x16: {  	v1 =	vimm.f32 $0.0e+00;
	v2 =	vimm.f32 $1.000000000e+00;
	s11 =	simm.s32 $0x2480;
	s4 =	sadd.s32 $0x1400, s10;
	s10 =	simm.s32 $0x80  }
.LBB2_1:
0x17: {  	s30 =	rddreg [dreg:$0x4];
	s31 =	simm.s32 @!p0 $0x1C02  }
0x18: {  	[spmem:s8], [sflag:s31] =	dma.local @!p0 [hbm:s30], $0x8000  }
0x19: {  	s30 =	simm.s32 @!p0 $0x2  }
0x1a: {  	_ =	swait.ge @!p0 [sflag:s30], $0x8000  }
0x1b: {  	[sflag:s30] =	ssyncset.done @!p0 $0x0  }
0x1c: {  	[sflag:s30] =	ssyncadd.s32 @!p0 $0xFFFF8000  }
0x1d: {  	[bflag:$0x0] =	sbarrier.arrive $0xFFFF  }
0x1e: {  	[tilespmem:s2], [sflag:$0x2] =	stream.linear.gather [hbm4b:s4+s2], $0x480, $0x38;
	[tilespmem:$0x16880] =	vst v63  }
0x1f: {  	_ =	swait.ge [sflag:s9], $0x480  }
0x20: {  	[sflag:s9] =	ssyncset.done $0x0  }
0x21: {  	[sflag:s9] =	ssyncadd.s32 $0xFFFFFB80  }
0x22: {  	[tilespmem:s3], [sflag:$0x1] =	stream.indirect.gather [spmem:s0], $0x40, s2, s10, $0xb8;
	[tilespmem:$0x16880] =	vst v63  }
0x23: {  	_ = 	snop  }
0x24: {  	[tilespmem:s11], [sflag:$0x1] =	stream.indirect.gather [spmem:s0], $0x40, s10, s10, $0xb8;
	[tilespmem:$0x16880] =	vst v63  }
0x25: {  	_ = 	snop  }
0x26: {  	[tilespmem:s13], [sflag:$0x1] =	stream.indirect.gather [spmem:s0], $0x40, s12, s10, $0xb8;
	[tilespmem:$0x16880] =	vst v63  }
0x27: {  	_ = 	snop  }
0x28: {  	[tilespmem:s15], [sflag:$0x1] =	stream.indirect.gather [spmem:s0], $0x40, s14, s10, $0xb8;
	[tilespmem:$0x16880] =	vst v63  }
0x29: {  	_ = 	snop  }
0x2a: {  	[tilespmem:s17], [sflag:$0x1] =	stream.indirect.gather [spmem:s0], $0x40, s16, s10, $0xb8;
	[tilespmem:$0x16880] =	vst v63  }
0x2b: {  	_ = 	snop  }
0x2c: {  	[tilespmem:s19], [sflag:$0x1] =	stream.indirect.gather [spmem:s0], $0x40, s18, s10, $0xb8;
	[tilespmem:$0x16880] =	vst v63  }
0x2d: {  	_ = 	snop  }
0x2e: {  	[tilespmem:s21], [sflag:$0x1] =	stream.indirect.gather [spmem:s0], $0x40, s20, s10, $0xb8;
	[tilespmem:$0x16880] =	vst v63  }
0x2f: {  	_ = 	snop  }
0x30: {  	[tilespmem:s23], [sflag:$0x1] =	stream.indirect.gather [spmem:s0], $0x40, s22, s10, $0xb8;
	[tilespmem:$0x16880] =	vst v63  }
0x31: {  	_ = 	snop  }
0x32: {  	[tilespmem:s25], [sflag:$0x1] =	stream.indirect.gather [spmem:s0], $0x40, s24, s10, $0xb8;
	[tilespmem:$0x16880] =	vst v63  }
0x33: {  	[tilespmem:$0x12480] =	vst v1  }
0x34: {  	[tilespmem:$0x12490] =	vst v1  }
0x35: {  	[tilespmem:$0x124A0] =	vst v1  }
0x36: {  	[tilespmem:$0x124B0] =	vst v1  }
0x37: {  	[tilespmem:$0x124C0] =	vst v1  }
0x38: {  	[tilespmem:$0x124D0] =	vst v1  }
0x39: {  	[tilespmem:$0x124E0] =	vst v1  }
0x3a: {  	[tilespmem:$0x124F0] =	vst v1  }
0x3b: {  	[tilespmem:$0x12500] =	vst v1  }
0x3c: {  	[tilespmem:$0x12510] =	vst v1  }
0x3d: {  	[tilespmem:$0x12520] =	vst v1  }
0x3e: {  	[tilespmem:$0x12530] =	vst v1  }
0x3f: {  	[tilespmem:$0x12540] =	vst v1  }
0x40: {  	[tilespmem:$0x12550] =	vst v1  }
0x41: {  	[tilespmem:$0x12560] =	vst v1  }
0x42: {  	[tilespmem:$0x12570] =	vst v1  }
0x43: {  	[tilespmem:$0x12580] =	vst v1  }
0x44: {  	[tilespmem:$0x12590] =	vst v1  }
0x45: {  	[tilespmem:$0x125A0] =	vst v1  }
0x46: {  	[tilespmem:$0x125B0] =	vst v1  }
0x47: {  	[tilespmem:$0x125C0] =	vst v1  }
0x48: {  	[tilespmem:$0x125D0] =	vst v1  }
0x49: {  	[tilespmem:$0x125E0] =	vst v1  }
0x4a: {  	[tilespmem:$0x125F0] =	vst v1  }
0x4b: {  	[tilespmem:$0x12600] =	vst v1  }
0x4c: {  	[tilespmem:$0x12610] =	vst v1  }
0x4d: {  	[tilespmem:$0x12620] =	vst v1  }
0x4e: {  	[tilespmem:$0x12630] =	vst v1  }
0x4f: {  	[tilespmem:$0x12640] =	vst v1  }
0x50: {  	[tilespmem:$0x12650] =	vst v1  }
0x51: {  	[tilespmem:$0x12660] =	vst v1  }
0x52: {  	[tilespmem:$0x12670] =	vst v1  }
0x53: {  	[tilespmem:$0x12680] =	vst v1  }
0x54: {  	[tilespmem:$0x12690] =	vst v1  }
0x55: {  	[tilespmem:$0x126A0] =	vst v1  }
0x56: {  	[tilespmem:$0x126B0] =	vst v1  }
0x57: {  	[tilespmem:$0x126C0] =	vst v1  }
0x58: {  	[tilespmem:$0x126D0] =	vst v1  }
0x59: {  	[tilespmem:$0x126E0] =	vst v1  }
0x5a: {  	[tilespmem:$0x126F0] =	vst v1  }
0x5b: {  	[tilespmem:$0x12700] =	vst v1  }
0x5c: {  	[tilespmem:$0x12710] =	vst v1  }
0x5d: {  	[tilespmem:$0x12720] =	vst v1  }
0x5e: {  	[tilespmem:$0x12730] =	vst v1  }
0x5f: {  	[tilespmem:$0x12740] =	vst v1  }
0x60: {  	[tilespmem:$0x12750] =	vst v1  }
0x61: {  	[tilespmem:$0x12760] =	vst v1  }
0x62: {  	[tilespmem:$0x12770] =	vst v1  }
0x63: {  	[tilespmem:$0x12780] =	vst v1  }
0x64: {  	[tilespmem:$0x12790] =	vst v1  }
0x65: {  	[tilespmem:$0x127A0] =	vst v1  }
0x66: {  	[tilespmem:$0x127B0] =	vst v1  }
0x67: {  	[tilespmem:$0x127C0] =	vst v1;
	v3 =	vld [tilespmem:$0x0]  }
0x68: {  	[tilespmem:$0x127D0] =	vst v1  }
0x69: {  	[tilespmem:$0x127E0] =	vst v1  }
0x6a: {  	[tilespmem:$0x127F0] =	vst v1  }
0x6b: {  	[tilespmem:$0x12800] =	vst v1  }
0x6c: {  	[tilespmem:$0x12810] =	vst v1;
	v4 =	vsub.s32 v3, v0  }
0x6d: {  	[tilespmem:$0x12820] =	vst v1;
	v3 =	vand.u32 $0x7, v3;
	v4 =	vand.u32 $0xFFFFFFF8, v4  }
0x6e: {  	[tilespmem:$0x12830] =	vst v1;
	v3 =	vor.u32 v3, v4  }
0x6f: {  	[tilespmem:$0x12840] =	vst v1  }
0x70: {  	[tilespmem:$0x12850] =	vst v1  }
0x71: {  	[tilespmem:$0x12860] =	vst v1  }
0x72: {  	[tilespmem:$0x12870] =	vst v1  }
0x73: {  	[tilespmem:v3+s26+$0x0] =	vst.idx.add.f32.msk $0xffff, v2  }
0x74: {  	v3 =	vld [tilespmem:$0x10];
	_ =	sdelay $0x4  }
0x75: {  	v49 =	vsub.s32 v3, v0  }
0x76: {  	v3 =	vand.u32 $0x7, v3;
	v4 =	vand.u32 $0xFFFFFFF8, v49  }
0x77: {  	v3 =	vor.u32 v3, v4;
	_ =	sdelay $0x4  }
0x78: {  	[tilespmem:v3+s26+$0x0] =	vst.idx.add.f32.msk $0xffff, v2  }
0x79: {  	v3 =	vld [tilespmem:$0x20];
	_ =	sdelay $0x4  }
0x7a: {  	v50 =	vsub.s32 v3, v0  }
0x7b: {  	v3 =	vand.u32 $0x7, v3;
	v4 =	vand.u32 $0xFFFFFFF8, v50  }
0x7c: {  	v3 =	vor.u32 v3, v4;
	_ =	sdelay $0x4  }
0x7d: {  	[tilespmem:v3+s26+$0x0] =	vst.idx.add.f32.msk $0xffff, v2  }
0x7e: {  	v3 =	vld [tilespmem:$0x30];
	_ =	sdelay $0x4  }
0x7f: {  	v51 =	vsub.s32 v3, v0  }
0x80: {  	v3 =	vand.u32 $0x7, v3;
	v4 =	vand.u32 $0xFFFFFFF8, v51  }
0x81: {  	v3 =	vor.u32 v3, v4;
	_ =	sdelay $0x4  }
0x82: {  	[tilespmem:v3+s26+$0x0] =	vst.idx.add.f32.msk $0xffff, v2  }
0x83: {  	v3 =	vld [tilespmem:$0x40];
	_ =	sdelay $0x4  }
0x84: {  	v52 =	vsub.s32 v3, v0  }
0x85: {  	v3 =	vand.u32 $0x7, v3;
	v4 =	vand.u32 $0xFFFFFFF8, v52  }
0x86: {  	v3 =	vor.u32 v3, v4;
	_ =	sdelay $0x4  }
0x87: {  	[tilespmem:v3+s26+$0x0] =	vst.idx.add.f32.msk $0xffff, v2  }
0x88: {  	v3 =	vld [tilespmem:$0x50];
	_ =	sdelay $0x4  }
0x89: {  	v53 =	vsub.s32 v3, v0  }
0x8a: {  	v3 =	vand.u32 $0x7, v3;
	v4 =	vand.u32 $0xFFFFFFF8, v53  }
0x8b: {  	v3 =	vor.u32 v3, v4;
	_ =	sdelay $0x4  }
0x8c: {  	[tilespmem:v3+s26+$0x0] =	vst.idx.add.f32.msk $0xffff, v2  }
0x8d: {  	v3 =	vld [tilespmem:$0x60];
	_ =	sdelay $0x4  }
0x8e: {  	v54 =	vsub.s32 v3, v0  }
0x8f: {  	v3 =	vand.u32 $0x7, v3;
	v4 =	vand.u32 $0xFFFFFFF8, v54  }
0x90: {  	v3 =	vor.u32 v3, v4;
	_ =	sdelay $0x4  }
0x91: {  	[tilespmem:v3+s26+$0x0] =	vst.idx.add.f32.msk $0xffff, v2  }
0x92: {  	v3 =	vld [tilespmem:$0x70];
	_ =	sdelay $0x4  }
0x93: {  	v55 =	vsub.s32 v3, v0  }
0x94: {  	v3 =	vand.u32 $0x7, v3;
	v4 =	vand.u32 $0xFFFFFFF8, v55  }
0x95: {  	v3 =	vor.u32 v3, v4;
	_ =	sdelay $0x4  }
0x96: {  	[tilespmem:v3+s26+$0x0] =	vst.idx.add.f32.msk $0xffff, v2  }
0x97: {  	v3 =	vld [tilespmem:$0x80];
	_ =	sdelay $0x4  }
0x98: {  	v56 =	vsub.s32 v3, v0  }
0x99: {  	v3 =	vand.u32 $0x7, v3;
	v4 =	vand.u32 $0xFFFFFFF8, v56  }
0x9a: {  	v3 =	vor.u32 v3, v4;
	_ =	sdelay $0x4  }
0x9b: {  	[tilespmem:v3+s26+$0x0] =	vst.idx.add.f32.msk $0xffff, v2  }
0x9c: {  	v3 =	vld [tilespmem:$0x90];
	_ =	sdelay $0x4  }
0x9d: {  	v57 =	vsub.s32 v3, v0  }
0x9e: {  	v3 =	vand.u32 $0x7, v3;
	v4 =	vand.u32 $0xFFFFFFF8, v57  }
0x9f: {  	v3 =	vor.u32 v3, v4;
	_ =	sdelay $0x4  }
0xa0: {  	[tilespmem:v3+s26+$0x0] =	vst.idx.add.f32.msk $0xffff, v2  }
0xa1: {  	v3 =	vld [tilespmem:$0xA0];
	_ =	sdelay $0x4  }
0xa2: {  	v58 =	vsub.s32 v3, v0  }
0xa3: {  	v3 =	vand.u32 $0x7, v3;
	v4 =	vand.u32 $0xFFFFFFF8, v58  }
0xa4: {  	v3 =	vor.u32 v3, v4;
	_ =	sdelay $0x4  }
0xa5: {  	[tilespmem:v3+s26+$0x0] =	vst.idx.add.f32.msk $0xffff, v2  }
0xa6: {  	v3 =	vld [tilespmem:$0xB0];
	_ =	sdelay $0x4  }
0xa7: {  	v59 =	vsub.s32 v3, v0  }
0xa8: {  	v3 =	vand.u32 $0x7, v3;
	v4 =	vand.u32 $0xFFFFFFF8, v59  }
0xa9: {  	v3 =	vor.u32 v3, v4;
	_ =	sdelay $0x4  }
0xaa: {  	[tilespmem:v3+s26+$0x0] =	vst.idx.add.f32.msk $0xffff, v2  }
0xab: {  	v3 =	vld [tilespmem:$0xC0];
	_ =	sdelay $0x4  }
0xac: {  	v60 =	vsub.s32 v3, v0  }
0xad: {  	v3 =	vand.u32 $0x7, v3;
	v4 =	vand.u32 $0xFFFFFFF8, v60  }
0xae: {  	v3 =	vor.u32 v3, v4;
	_ =	sdelay $0x4  }
0xaf: {  	[tilespmem:v3+s26+$0x0] =	vst.idx.add.f32.msk $0xffff, v2  }
0xb0: {  	v3 =	vld [tilespmem:$0xD0];
	_ =	sdelay $0x4  }
0xb1: {  	v61 =	vsub.s32 v3, v0  }
0xb2: {  	v3 =	vand.u32 $0x7, v3;
	v4 =	vand.u32 $0xFFFFFFF8, v61  }
0xb3: {  	v3 =	vor.u32 v3, v4;
	_ =	sdelay $0x4  }
0xb4: {  	[tilespmem:v3+s26+$0x0] =	vst.idx.add.f32.msk $0xffff, v2  }
0xb5: {  	v3 =	vld [tilespmem:$0xE0];
	_ =	sdelay $0x4  }
0xb6: {  	v62 =	vsub.s32 v3, v0  }
0xb7: {  	v3 =	vand.u32 $0x7, v3;
	v4 =	vand.u32 $0xFFFFFFF8, v62  }
0xb8: {  	v3 =	vor.u32 v3, v4;
	_ =	sdelay $0x4  }
0xb9: {  	[tilespmem:v3+s26+$0x0] =	vst.idx.add.f32.msk $0xffff, v2  }
0xba: {  	v3 =	vld [tilespmem:$0xF0];
	_ =	sdelay $0x4  }
0xbb: {  	v63 =	vsub.s32 v3, v0  }
0xbc: {  	v3 =	vand.u32 $0x7, v3;
	v4 =	vand.u32 $0xFFFFFFF8, v63  }
0xbd: {  	v3 =	vor.u32 v3, v4;
	_ =	sdelay $0x4  }
0xbe: {  	[tilespmem:v3+s26+$0x0] =	vst.idx.add.f32.msk $0xffff, v2  }
0xbf: {  	v3 =	vld [tilespmem:$0x100];
	_ =	sdelay $0x4  }
0xc0: {  	v8 =	vsub.s32 v3, v0  }
0xc1: {  	v3 =	vand.u32 $0x7, v3;
	v4 =	vand.u32 $0xFFFFFFF8, v8  }
0xc2: {  	v3 =	vor.u32 v3, v4;
	_ =	sdelay $0x4  }
0xc3: {  	[tilespmem:v3+s26+$0x0] =	vst.idx.add.f32.msk $0xffff, v2  }
0xc4: {  	v3 =	vld [tilespmem:$0x110];
	_ =	sdelay $0x4  }
0xc5: {  	v9 =	vsub.s32 v3, v0  }
0xc6: {  	v3 =	vand.u32 $0x7, v3;
	v4 =	vand.u32 $0xFFFFFFF8, v9  }
0xc7: {  	v3 =	vor.u32 v3, v4;
	_ =	sdelay $0x4  }
0xc8: {  	[tilespmem:v3+s26+$0x0] =	vst.idx.add.f32.msk $0xffff, v2  }
0xc9: {  	v3 =	vld [tilespmem:$0x120];
	_ =	sdelay $0x4  }
0xca: {  	v10 =	vsub.s32 v3, v0  }
0xcb: {  	v3 =	vand.u32 $0x7, v3;
	v4 =	vand.u32 $0xFFFFFFF8, v10  }
0xcc: {  	v3 =	vor.u32 v3, v4;
	_ =	sdelay $0x4  }
0xcd: {  	[tilespmem:v3+s26+$0x0] =	vst.idx.add.f32.msk $0xffff, v2  }
0xce: {  	v3 =	vld [tilespmem:$0x130];
	_ =	sdelay $0x4  }
0xcf: {  	v11 =	vsub.s32 v3, v0  }
0xd0: {  	v3 =	vand.u32 $0x7, v3;
	v4 =	vand.u32 $0xFFFFFFF8, v11  }
0xd1: {  	v3 =	vor.u32 v3, v4;
	_ =	sdelay $0x4  }
0xd2: {  	[tilespmem:v3+s26+$0x0] =	vst.idx.add.f32.msk $0xffff, v2  }
0xd3: {  	v3 =	vld [tilespmem:$0x140];
	_ =	sdelay $0x4  }
0xd4: {  	v12 =	vsub.s32 v3, v0  }
0xd5: {  	v3 =	vand.u32 $0x7, v3;
	v4 =	vand.u32 $0xFFFFFFF8, v12  }
0xd6: {  	v3 =	vor.u32 v3, v4;
	_ =	sdelay $0x4  }
0xd7: {  	[tilespmem:v3+s26+$0x0] =	vst.idx.add.f32.msk $0xffff, v2  }
0xd8: {  	v3 =	vld [tilespmem:$0x150];
	_ =	sdelay $0x4  }
0xd9: {  	v13 =	vsub.s32 v3, v0  }
0xda: {  	v3 =	vand.u32 $0x7, v3;
	v4 =	vand.u32 $0xFFFFFFF8, v13  }
0xdb: {  	v3 =	vor.u32 v3, v4;
	_ =	sdelay $0x4  }
0xdc: {  	[tilespmem:v3+s26+$0x0] =	vst.idx.add.f32.msk $0xffff, v2  }
0xdd: {  	v3 =	vld [tilespmem:$0x160];
	_ =	sdelay $0x4  }
0xde: {  	v14 =	vsub.s32 v3, v0  }
0xdf: {  	v3 =	vand.u32 $0x7, v3;
	v4 =	vand.u32 $0xFFFFFFF8, v14  }
0xe0: {  	v3 =	vor.u32 v3, v4;
	_ =	sdelay $0x4  }
0xe1: {  	[tilespmem:v3+s26+$0x0] =	vst.idx.add.f32.msk $0xffff, v2  }
0xe2: {  	v3 =	vld [tilespmem:$0x170];
	_ =	sdelay $0x4  }
0xe3: {  	v15 =	vsub.s32 v3, v0  }
0xe4: {  	v3 =	vand.u32 $0x7, v3;
	v4 =	vand.u32 $0xFFFFFFF8, v15  }
0xe5: {  	v3 =	vor.u32 v3, v4;
	_ =	sdelay $0x4  }
0xe6: {  	[tilespmem:v3+s26+$0x0] =	vst.idx.add.f32.msk $0xffff, v2  }
0xe7: {  	v3 =	vld [tilespmem:$0x180];
	_ =	sdelay $0x4  }
0xe8: {  	v16 =	vsub.s32 v3, v0  }
0xe9: {  	v3 =	vand.u32 $0x7, v3;
	v4 =	vand.u32 $0xFFFFFFF8, v16  }
0xea: {  	v3 =	vor.u32 v3, v4;
	_ =	sdelay $0x4  }
0xeb: {  	[tilespmem:v3+s26+$0x0] =	vst.idx.add.f32.msk $0xffff, v2  }
0xec: {  	v3 =	vld [tilespmem:$0x190];
	_ =	sdelay $0x4  }
0xed: {  	v17 =	vsub.s32 v3, v0  }
0xee: {  	v3 =	vand.u32 $0x7, v3;
	v4 =	vand.u32 $0xFFFFFFF8, v17  }
0xef: {  	v3 =	vor.u32 v3, v4;
	_ =	sdelay $0x4  }
0xf0: {  	[tilespmem:v3+s26+$0x0] =	vst.idx.add.f32.msk $0xffff, v2  }
0xf1: {  	v3 =	vld [tilespmem:$0x1A0];
	_ =	sdelay $0x4  }
0xf2: {  	v18 =	vsub.s32 v3, v0  }
0xf3: {  	v3 =	vand.u32 $0x7, v3;
	v4 =	vand.u32 $0xFFFFFFF8, v18  }
0xf4: {  	v3 =	vor.u32 v3, v4;
	_ =	sdelay $0x4  }
0xf5: {  	[tilespmem:v3+s26+$0x0] =	vst.idx.add.f32.msk $0xffff, v2  }
0xf6: {  	v3 =	vld [tilespmem:$0x1B0];
	_ =	sdelay $0x4  }
0xf7: {  	v19 =	vsub.s32 v3, v0  }
0xf8: {  	v3 =	vand.u32 $0x7, v3;
	v4 =	vand.u32 $0xFFFFFFF8, v19  }
0xf9: {  	v3 =	vor.u32 v3, v4;
	_ =	sdelay $0x4  }
0xfa: {  	[tilespmem:v3+s26+$0x0] =	vst.idx.add.f32.msk $0xffff, v2  }
0xfb: {  	v3 =	vld [tilespmem:$0x1C0];
	_ =	sdelay $0x4  }
0xfc: {  	v20 =	vsub.s32 v3, v0  }
0xfd: {  	v3 =	vand.u32 $0x7, v3;
	v4 =	vand.u32 $0xFFFFFFF8, v20  }
0xfe: {  	v3 =	vor.u32 v3, v4;
	_ =	sdelay $0x4  }
0xff: {  	[tilespmem:v3+s26+$0x0] =	vst.idx.add.f32.msk $0xffff, v2  }
0x100: {  	v3 =	vld [tilespmem:$0x1D0];
	_ =	sdelay $0x4  }
0x101: {  	v21 =	vsub.s32 v3, v0  }
0x102: {  	v3 =	vand.u32 $0x7, v3;
	v4 =	vand.u32 $0xFFFFFFF8, v21  }
0x103: {  	v3 =	vor.u32 v3, v4;
	_ =	sdelay $0x4  }
0x104: {  	[tilespmem:v3+s26+$0x0] =	vst.idx.add.f32.msk $0xffff, v2  }
0x105: {  	v3 =	vld [tilespmem:$0x1E0];
	_ =	sdelay $0x4  }
0x106: {  	v22 =	vsub.s32 v3, v0  }
0x107: {  	v3 =	vand.u32 $0x7, v3;
	v4 =	vand.u32 $0xFFFFFFF8, v22  }
0x108: {  	v3 =	vor.u32 v3, v4;
	_ =	sdelay $0x4  }
0x109: {  	[tilespmem:v3+s26+$0x0] =	vst.idx.add.f32.msk $0xffff, v2  }
0x10a: {  	v3 =	vld [tilespmem:$0x1F0];
	_ =	sdelay $0x4  }
0x10b: {  	v23 =	vsub.s32 v3, v0  }
0x10c: {  	v3 =	vand.u32 $0x7, v3;
	v4 =	vand.u32 $0xFFFFFFF8, v23  }
0x10d: {  	v3 =	vor.u32 v3, v4;
	_ =	sdelay $0x4  }
0x10e: {  	[tilespmem:v3+s26+$0x0] =	vst.idx.add.f32.msk $0xffff, v2  }
0x10f: {  	v3 =	vld [tilespmem:$0x200];
	_ =	sdelay $0x4  }
0x110: {  	v24 =	vsub.s32 v3, v0  }
0x111: {  	v3 =	vand.u32 $0x7, v3;
	v4 =	vand.u32 $0xFFFFFFF8, v24  }
0x112: {  	v3 =	vor.u32 v3, v4;
	_ =	sdelay $0x4  }
0x113: {  	[tilespmem:v3+s26+$0x0] =	vst.idx.add.f32.msk $0xffff, v2  }
0x114: {  	v3 =	vld [tilespmem:$0x210];
	_ =	sdelay $0x4  }
0x115: {  	v25 =	vsub.s32 v3, v0  }
0x116: {  	v3 =	vand.u32 $0x7, v3;
	v4 =	vand.u32 $0xFFFFFFF8, v25  }
0x117: {  	v3 =	vor.u32 v3, v4;
	_ =	sdelay $0x4  }
0x118: {  	[tilespmem:v3+s26+$0x0] =	vst.idx.add.f32.msk $0xffff, v2  }
0x119: {  	v3 =	vld [tilespmem:$0x220];
	_ =	sdelay $0x4  }
0x11a: {  	v26 =	vsub.s32 v3, v0  }
0x11b: {  	v3 =	vand.u32 $0x7, v3;
	v4 =	vand.u32 $0xFFFFFFF8, v26  }
0x11c: {  	v3 =	vor.u32 v3, v4;
	_ =	sdelay $0x4  }
0x11d: {  	[tilespmem:v3+s26+$0x0] =	vst.idx.add.f32.msk $0xffff, v2  }
0x11e: {  	v3 =	vld [tilespmem:$0x230];
	_ =	sdelay $0x4  }
0x11f: {  	v27 =	vsub.s32 v3, v0  }
0x120: {  	v3 =	vand.u32 $0x7, v3;
	v4 =	vand.u32 $0xFFFFFFF8, v27  }
0x121: {  	v3 =	vor.u32 v3, v4;
	_ =	sdelay $0x4  }
0x122: {  	[tilespmem:v3+s26+$0x0] =	vst.idx.add.f32.msk $0xffff, v2  }
0x123: {  	v3 =	vld [tilespmem:$0x240];
	_ =	sdelay $0x4  }
0x124: {  	v28 =	vsub.s32 v3, v0  }
0x125: {  	v3 =	vand.u32 $0x7, v3;
	v4 =	vand.u32 $0xFFFFFFF8, v28  }
0x126: {  	v3 =	vor.u32 v3, v4;
	_ =	sdelay $0x4  }
0x127: {  	[tilespmem:v3+s26+$0x0] =	vst.idx.add.f32.msk $0xffff, v2  }
0x128: {  	v3 =	vld [tilespmem:$0x250];
	_ =	sdelay $0x4  }
0x129: {  	v29 =	vsub.s32 v3, v0  }
0x12a: {  	v3 =	vand.u32 $0x7, v3;
	v4 =	vand.u32 $0xFFFFFFF8, v29  }
0x12b: {  	v3 =	vor.u32 v3, v4;
	_ =	sdelay $0x4  }
0x12c: {  	[tilespmem:v3+s26+$0x0] =	vst.idx.add.f32.msk $0xffff, v2  }
0x12d: {  	v3 =	vld [tilespmem:$0x260];
	_ =	sdelay $0x4  }
0x12e: {  	v30 =	vsub.s32 v3, v0  }
0x12f: {  	v3 =	vand.u32 $0x7, v3;
	v4 =	vand.u32 $0xFFFFFFF8, v30  }
0x130: {  	v3 =	vor.u32 v3, v4;
	_ =	sdelay $0x4  }
0x131: {  	[tilespmem:v3+s26+$0x0] =	vst.idx.add.f32.msk $0xffff, v2  }
0x132: {  	v3 =	vld [tilespmem:$0x270];
	_ =	sdelay $0x4  }
0x133: {  	v31 =	vsub.s32 v3, v0  }
0x134: {  	v3 =	vand.u32 $0x7, v3;
	v4 =	vand.u32 $0xFFFFFFF8, v31  }
0x135: {  	v3 =	vor.u32 v3, v4;
	_ =	sdelay $0x4  }
0x136: {  	[tilespmem:v3+s26+$0x0] =	vst.idx.add.f32.msk $0xffff, v2  }
0x137: {  	v3 =	vld [tilespmem:$0x280];
	_ =	sdelay $0x4  }
0x138: {  	v32 =	vsub.s32 v3, v0  }
0x139: {  	v3 =	vand.u32 $0x7, v3;
	v4 =	vand.u32 $0xFFFFFFF8, v32  }
0x13a: {  	v3 =	vor.u32 v3, v4;
	_ =	sdelay $0x4  }
0x13b: {  	[tilespmem:v3+s26+$0x0] =	vst.idx.add.f32.msk $0xffff, v2  }
0x13c: {  	v3 =	vld [tilespmem:$0x290];
	_ =	sdelay $0x4  }
0x13d: {  	v33 =	vsub.s32 v3, v0  }
0x13e: {  	v3 =	vand.u32 $0x7, v3;
	v4 =	vand.u32 $0xFFFFFFF8, v33  }
0x13f: {  	v3 =	vor.u32 v3, v4;
	_ =	sdelay $0x4  }
0x140: {  	[tilespmem:v3+s26+$0x0] =	vst.idx.add.f32.msk $0xffff, v2  }
0x141: {  	v3 =	vld [tilespmem:$0x2A0];
	_ =	sdelay $0x4  }
0x142: {  	v34 =	vsub.s32 v3, v0  }
0x143: {  	v3 =	vand.u32 $0x7, v3;
	v4 =	vand.u32 $0xFFFFFFF8, v34  }
0x144: {  	v3 =	vor.u32 v3, v4;
	_ =	sdelay $0x4  }
0x145: {  	[tilespmem:v3+s26+$0x0] =	vst.idx.add.f32.msk $0xffff, v2  }
0x146: {  	v3 =	vld [tilespmem:$0x2B0];
	_ =	sdelay $0x4  }
0x147: {  	v35 =	vsub.s32 v3, v0  }
0x148: {  	v3 =	vand.u32 $0x7, v3;
	v4 =	vand.u32 $0xFFFFFFF8, v35  }
0x149: {  	v3 =	vor.u32 v3, v4;
	_ =	sdelay $0x4  }
0x14a: {  	[tilespmem:v3+s26+$0x0] =	vst.idx.add.f32.msk $0xffff, v2  }
0x14b: {  	v3 =	vld [tilespmem:$0x2C0];
	_ =	sdelay $0x4  }
0x14c: {  	v36 =	vsub.s32 v3, v0  }
0x14d: {  	v3 =	vand.u32 $0x7, v3;
	v4 =	vand.u32 $0xFFFFFFF8, v36  }
0x14e: {  	v3 =	vor.u32 v3, v4;
	_ =	sdelay $0x4  }
0x14f: {  	[tilespmem:v3+s26+$0x0] =	vst.idx.add.f32.msk $0xffff, v2  }
0x150: {  	v3 =	vld [tilespmem:$0x2D0];
	_ =	sdelay $0x4  }
0x151: {  	v37 =	vsub.s32 v3, v0  }
0x152: {  	v3 =	vand.u32 $0x7, v3;
	v4 =	vand.u32 $0xFFFFFFF8, v37  }
0x153: {  	v3 =	vor.u32 v3, v4;
	_ =	sdelay $0x4  }
0x154: {  	[tilespmem:v3+s26+$0x0] =	vst.idx.add.f32.msk $0xffff, v2  }
0x155: {  	v3 =	vld [tilespmem:$0x2E0];
	_ =	sdelay $0x4  }
0x156: {  	v38 =	vsub.s32 v3, v0  }
0x157: {  	v3 =	vand.u32 $0x7, v3;
	v4 =	vand.u32 $0xFFFFFFF8, v38  }
0x158: {  	v3 =	vor.u32 v3, v4;
	_ =	sdelay $0x4  }
0x159: {  	[tilespmem:v3+s26+$0x0] =	vst.idx.add.f32.msk $0xffff, v2  }
0x15a: {  	v3 =	vld [tilespmem:$0x2F0];
	_ =	sdelay $0x4  }
0x15b: {  	v39 =	vsub.s32 v3, v0  }
0x15c: {  	v3 =	vand.u32 $0x7, v3;
	v4 =	vand.u32 $0xFFFFFFF8, v39  }
0x15d: {  	v3 =	vor.u32 v3, v4;
	_ =	sdelay $0x4  }
0x15e: {  	[tilespmem:v3+s26+$0x0] =	vst.idx.add.f32.msk $0xffff, v2  }
0x15f: {  	v3 =	vld [tilespmem:$0x300];
	_ =	sdelay $0x4  }
0x160: {  	v40 =	vsub.s32 v3, v0  }
0x161: {  	v3 =	vand.u32 $0x7, v3;
	v4 =	vand.u32 $0xFFFFFFF8, v40  }
0x162: {  	v3 =	vor.u32 v3, v4;
	_ =	sdelay $0x4  }
0x163: {  	[tilespmem:v3+s26+$0x0] =	vst.idx.add.f32.msk $0xffff, v2  }
0x164: {  	v3 =	vld [tilespmem:$0x310];
	_ =	sdelay $0x4  }
0x165: {  	v41 =	vsub.s32 v3, v0  }
0x166: {  	v3 =	vand.u32 $0x7, v3;
	v4 =	vand.u32 $0xFFFFFFF8, v41  }
0x167: {  	v3 =	vor.u32 v3, v4;
	_ =	sdelay $0x4  }
0x168: {  	[tilespmem:v3+s26+$0x0] =	vst.idx.add.f32.msk $0xffff, v2  }
0x169: {  	v3 =	vld [tilespmem:$0x320];
	_ =	sdelay $0x4  }
0x16a: {  	v42 =	vsub.s32 v3, v0  }
0x16b: {  	v3 =	vand.u32 $0x7, v3;
	v4 =	vand.u32 $0xFFFFFFF8, v42  }
0x16c: {  	v3 =	vor.u32 v3, v4;
	_ =	sdelay $0x4  }
0x16d: {  	[tilespmem:v3+s26+$0x0] =	vst.idx.add.f32.msk $0xffff, v2  }
0x16e: {  	v3 =	vld [tilespmem:$0x330];
	_ =	sdelay $0x4  }
0x16f: {  	v43 =	vsub.s32 v3, v0  }
0x170: {  	v3 =	vand.u32 $0x7, v3;
	v4 =	vand.u32 $0xFFFFFFF8, v43  }
0x171: {  	v3 =	vor.u32 v3, v4;
	_ =	sdelay $0x4  }
0x172: {  	[tilespmem:v3+s26+$0x0] =	vst.idx.add.f32.msk $0xffff, v2  }
0x173: {  	v3 =	vld [tilespmem:$0x340];
	_ =	sdelay $0x4  }
0x174: {  	v44 =	vsub.s32 v3, v0  }
0x175: {  	v3 =	vand.u32 $0x7, v3;
	v4 =	vand.u32 $0xFFFFFFF8, v44  }
0x176: {  	v3 =	vor.u32 v3, v4;
	_ =	sdelay $0x4  }
0x177: {  	[tilespmem:v3+s26+$0x0] =	vst.idx.add.f32.msk $0xffff, v2  }
0x178: {  	v3 =	vld [tilespmem:$0x350];
	_ =	sdelay $0x4  }
0x179: {  	v45 =	vsub.s32 v3, v0  }
0x17a: {  	v3 =	vand.u32 $0x7, v3;
	v4 =	vand.u32 $0xFFFFFFF8, v45  }
0x17b: {  	v3 =	vor.u32 v3, v4;
	_ =	sdelay $0x4  }
0x17c: {  	[tilespmem:v3+s26+$0x0] =	vst.idx.add.f32.msk $0xffff, v2  }
0x17d: {  	v3 =	vld [tilespmem:$0x360];
	_ =	sdelay $0x4  }
0x17e: {  	v46 =	vsub.s32 v3, v0  }
0x17f: {  	v3 =	vand.u32 $0x7, v3;
	v4 =	vand.u32 $0xFFFFFFF8, v46  }
0x180: {  	v3 =	vor.u32 v3, v4;
	_ =	sdelay $0x4  }
0x181: {  	[tilespmem:v3+s26+$0x0] =	vst.idx.add.f32.msk $0xffff, v2  }
0x182: {  	v3 =	vld [tilespmem:$0x370];
	_ =	sdelay $0x4  }
0x183: {  	v47 =	vsub.s32 v3, v0  }
0x184: {  	v3 =	vand.u32 $0x7, v3;
	v4 =	vand.u32 $0xFFFFFFF8, v47  }
0x185: {  	v3 =	vor.u32 v3, v4;
	_ =	sdelay $0x4  }
0x186: {  	[tilespmem:v3+s26+$0x0] =	vst.idx.add.f32.msk $0xffff, v2  }
0x187: {  	v3 =	vld [tilespmem:$0x380];
	_ =	sdelay $0x4  }
0x188: {  	v48 =	vsub.s32 v3, v0  }
0x189: {  	v3 =	vand.u32 $0x7, v3;
	v4 =	vand.u32 $0xFFFFFFF8, v48  }
0x18a: {  	v3 =	vor.u32 v3, v4;
	_ =	sdelay $0x4  }
0x18b: {  	[tilespmem:v3+s26+$0x0] =	vst.idx.add.f32.msk $0xffff, v2  }
0x18c: {  	v3 =	vld [tilespmem:$0x390];
	_ =	sdelay $0x4  }
0x18d: {  	v49 =	vsub.s32 v3, v0  }
0x18e: {  	v3 =	vand.u32 $0x7, v3;
	v4 =	vand.u32 $0xFFFFFFF8, v49  }
0x18f: {  	v3 =	vor.u32 v3, v4;
	_ =	sdelay $0x4  }
0x190: {  	[tilespmem:v3+s26+$0x0] =	vst.idx.add.f32.msk $0xffff, v2  }
0x191: {  	v3 =	vld [tilespmem:$0x3A0];
	_ =	sdelay $0x4  }
0x192: {  	v50 =	vsub.s32 v3, v0  }
0x193: {  	v3 =	vand.u32 $0x7, v3;
	v4 =	vand.u32 $0xFFFFFFF8, v50  }
0x194: {  	v3 =	vor.u32 v3, v4;
	_ =	sdelay $0x4  }
0x195: {  	[tilespmem:v3+s26+$0x0] =	vst.idx.add.f32.msk $0xffff, v2  }
0x196: {  	v3 =	vld [tilespmem:$0x3B0];
	_ =	sdelay $0x4  }
0x197: {  	v51 =	vsub.s32 v3, v0  }
0x198: {  	v3 =	vand.u32 $0x7, v3;
	v4 =	vand.u32 $0xFFFFFFF8, v51  }
0x199: {  	v3 =	vor.u32 v3, v4;
	_ =	sdelay $0x4  }
0x19a: {  	[tilespmem:v3+s26+$0x0] =	vst.idx.add.f32.msk $0xffff, v2  }
0x19b: {  	v3 =	vld [tilespmem:$0x3C0];
	_ =	sdelay $0x4  }
0x19c: {  	v52 =	vsub.s32 v3, v0  }
0x19d: {  	v3 =	vand.u32 $0x7, v3;
	v4 =	vand.u32 $0xFFFFFFF8, v52  }
0x19e: {  	v3 =	vor.u32 v3, v4;
	_ =	sdelay $0x4  }
0x19f: {  	[tilespmem:v3+s26+$0x0] =	vst.idx.add.f32.msk $0xffff, v2  }
0x1a0: {  	v3 =	vld [tilespmem:$0x3D0];
	_ =	sdelay $0x4  }
0x1a1: {  	v53 =	vsub.s32 v3, v0  }
0x1a2: {  	v3 =	vand.u32 $0x7, v3;
	v4 =	vand.u32 $0xFFFFFFF8, v53  }
0x1a3: {  	v3 =	vor.u32 v3, v4;
	_ =	sdelay $0x4  }
0x1a4: {  	[tilespmem:v3+s26+$0x0] =	vst.idx.add.f32.msk $0xffff, v2  }
0x1a5: {  	v3 =	vld [tilespmem:$0x3E0];
	_ =	sdelay $0x4  }
0x1a6: {  	v54 =	vsub.s32 v3, v0  }
0x1a7: {  	v3 =	vand.u32 $0x7, v3;
	v4 =	vand.u32 $0xFFFFFFF8, v54  }
0x1a8: {  	v3 =	vor.u32 v3, v4;
	_ =	sdelay $0x4  }
0x1a9: {  	[tilespmem:v3+s26+$0x0] =	vst.idx.add.f32.msk $0xffff, v2  }
0x1aa: {  	v3 =	vld [tilespmem:$0x3F0];
	_ =	sdelay $0x4  }
0x1ab: {  	v55 =	vsub.s32 v3, v0  }
0x1ac: {  	v3 =	vand.u32 $0x7, v3;
	v4 =	vand.u32 $0xFFFFFFF8, v55  }
0x1ad: {  	v3 =	vor.u32 v3, v4;
	_ =	sdelay $0x4  }
0x1ae: {  	[tilespmem:v3+s26+$0x0] =	vst.idx.add.f32.msk $0xffff, v2  }
0x1af: {  	v3 =	vld [tilespmem:$0x400];
	_ =	sdelay $0x4  }
0x1b0: {  	v56 =	vsub.s32 v3, v0  }
0x1b1: {  	v3 =	vand.u32 $0x7, v3;
	v4 =	vand.u32 $0xFFFFFFF8, v56  }
0x1b2: {  	v3 =	vor.u32 v3, v4;
	_ =	sdelay $0x4  }
0x1b3: {  	[tilespmem:v3+s26+$0x0] =	vst.idx.add.f32.msk $0xffff, v2  }
0x1b4: {  	v3 =	vld [tilespmem:$0x410];
	_ =	sdelay $0x4  }
0x1b5: {  	v57 =	vsub.s32 v3, v0  }
0x1b6: {  	v3 =	vand.u32 $0x7, v3;
	v4 =	vand.u32 $0xFFFFFFF8, v57  }
0x1b7: {  	v3 =	vor.u32 v3, v4;
	_ =	sdelay $0x4  }
0x1b8: {  	[tilespmem:v3+s26+$0x0] =	vst.idx.add.f32.msk $0xffff, v2  }
0x1b9: {  	v3 =	vld [tilespmem:$0x420];
	_ =	sdelay $0x4  }
0x1ba: {  	v58 =	vsub.s32 v3, v0  }
0x1bb: {  	v3 =	vand.u32 $0x7, v3;
	v4 =	vand.u32 $0xFFFFFFF8, v58  }
0x1bc: {  	v3 =	vor.u32 v3, v4;
	_ =	sdelay $0x4  }
0x1bd: {  	[tilespmem:v3+s26+$0x0] =	vst.idx.add.f32.msk $0xffff, v2  }
0x1be: {  	v3 =	vld [tilespmem:$0x430];
	_ =	sdelay $0x4  }
0x1bf: {  	v59 =	vsub.s32 v3, v0  }
0x1c0: {  	v3 =	vand.u32 $0x7, v3;
	v4 =	vand.u32 $0xFFFFFFF8, v59  }
0x1c1: {  	v3 =	vor.u32 v3, v4;
	_ =	sdelay $0x4  }
0x1c2: {  	[tilespmem:v3+s26+$0x0] =	vst.idx.add.f32.msk $0xffff, v2  }
0x1c3: {  	v3 =	vld [tilespmem:$0x440];
	_ =	sdelay $0x4  }
0x1c4: {  	v60 =	vsub.s32 v3, v0  }
0x1c5: {  	v3 =	vand.u32 $0x7, v3;
	v4 =	vand.u32 $0xFFFFFFF8, v60  }
0x1c6: {  	v3 =	vor.u32 v3, v4;
	_ =	sdelay $0x4  }
0x1c7: {  	[tilespmem:v3+s26+$0x0] =	vst.idx.add.f32.msk $0xffff, v2  }
0x1c8: {  	v3 =	vld [tilespmem:$0x450];
	_ =	sdelay $0x4  }
0x1c9: {  	v61 =	vsub.s32 v3, v0  }
0x1ca: {  	v3 =	vand.u32 $0x7, v3;
	v4 =	vand.u32 $0xFFFFFFF8, v61  }
0x1cb: {  	v3 =	vor.u32 v3, v4;
	_ =	sdelay $0x4  }
0x1cc: {  	[tilespmem:v3+s26+$0x0] =	vst.idx.add.f32.msk $0xffff, v2  }
0x1cd: {  	v3 =	vld [tilespmem:$0x460];
	_ =	sdelay $0x4  }
0x1ce: {  	v62 =	vsub.s32 v3, v0  }
0x1cf: {  	v3 =	vand.u32 $0x7, v3;
	v4 =	vand.u32 $0xFFFFFFF8, v62  }
0x1d0: {  	v3 =	vor.u32 v3, v4;
	_ =	sdelay $0x4  }
0x1d1: {  	[tilespmem:v3+s26+$0x0] =	vst.idx.add.f32.msk $0xffff, v2  }
0x1d2: {  	v3 =	vld [tilespmem:$0x470];
	_ =	sdelay $0x4  }
0x1d3: {  	v63 =	vsub.s32 v3, v0  }
0x1d4: {  	v3 =	vand.u32 $0x7, v3;
	v4 =	vand.u32 $0xFFFFFFF8, v63  }
0x1d5: {  	v3 =	vor.u32 v3, v4;
	_ =	sdelay $0x4  }
0x1d6: {  	[tilespmem:v3+s26+$0x0] =	vst.idx.add.f32.msk $0xffff, v2  }
0x1d7: {  	[hbm4b:s5+s2] =	stream.linear.scatter [tilespmem:s26], [sflag:$0x2], $0x400, $0x38;
	[tilespmem:$0x16880] =	vst v63  }
0x1d8: {  	_ =	swait.ge [sflag:s9], $0x400  }
0x1d9: {  	[sflag:s9] =	ssyncset.done $0x0  }
0x1da: {  	[sflag:s9] =	ssyncadd.s32 $0xFFFFFC00  }
0x1db: {  	_ =	swait.ge [sflag:s28], $0x2000  }
0x1dc: {  	[sflag:s28] =	ssyncset.done $0x0  }
0x1dd: {  	[sflag:s28] =	ssyncadd.s32 $0xFFFFE000  }
0x1de: {  	_ =	swait.ge [sflag:s28], $0x2000  }
0x1df: {  	[sflag:s28] =	ssyncset.done $0x0  }
0x1e0: {  	[sflag:s28] =	ssyncadd.s32 $0xFFFFE000  }
0x1e1: {  	_ =	swait.ge [sflag:s28], $0x2000  }
0x1e2: {  	[sflag:s28] =	ssyncset.done $0x0  }
0x1e3: {  	[sflag:s28] =	ssyncadd.s32 $0xFFFFE000  }
0x1e4: {  	_ =	swait.ge [sflag:s28], $0x2000  }
0x1e5: {  	[sflag:s28] =	ssyncset.done $0x0  }
0x1e6: {  	[sflag:s28] =	ssyncadd.s32 $0xFFFFE000  }
0x1e7: {  	_ =	swait.ge [sflag:s28], $0x2000  }
0x1e8: {  	[sflag:s28] =	ssyncset.done $0x0  }
0x1e9: {  	[sflag:s28] =	ssyncadd.s32 $0xFFFFE000  }
0x1ea: {  	_ =	swait.ge [sflag:s28], $0x2000  }
0x1eb: {  	[sflag:s28] =	ssyncset.done $0x0  }
0x1ec: {  	[sflag:s28] =	ssyncadd.s32 $0xFFFFE000  }
0x1ed: {  	_ =	swait.ge [sflag:s28], $0x2000  }
0x1ee: {  	[sflag:s28] =	ssyncset.done $0x0  }
0x1ef: {  	[sflag:s28] =	ssyncadd.s32 $0xFFFFE000  }
0x1f0: {  	_ =	swait.ge [sflag:s28], $0x2000  }
0x1f1: {  	[sflag:s28] =	ssyncset.done $0x0  }
0x1f2: {  	[sflag:s28] =	ssyncadd.s32 $0xFFFFE000  }
0x1f3: {  	s7 =	sadd.s32 $0xFFFFFFFF, s7;
	_ =	swait.ge [sflag:s28], $0x2000  }
0x1f4: {  	p1 =	sne.s32 s7, $0x0;
	[sflag:s28] =	ssyncset.done $0x0  }
.Ltmp0:
0x1f5: {  	[sflag:s28] =	ssyncadd.s32 $0xFFFFE000;
	(pc) =	sbr.rel @p1 .LBB2_1-.Ltmp0, $4  }
0x1f6: {  	[hbm4b:s6+s29] =	stream.strided.scatter [tilespmem:s3], [sflag:$0x2], $0x12000, s12, s29, $0x38;
	[tilespmem:$0x16880] =	vst v63  }
0x1f7: {  	_ =	swait.ge [sflag:s9], $0x12000  }
0x1f8: {  	[sflag:s9] =	ssyncset.done $0x0  }
0x1f9: {  	[sflag:s9] =	ssyncadd.s32 $0xFFFEE000  }
0x1fa: {  	_ =	sfence.sel $0x180000  }
0x1fb: {  	[bflag:$0x0] =	sbarrier.arrive $0xFFFF  }
0x1fc: {  	_ =	strace $0x90000047  }
0x1fd: {  	s0 =	sadd.s32 @!p0 $0x100000, s1;
	[bflag:$0x2] =	sbarrier.arrive $0xFFFF  }
0x1fe: {  	[sflag:s0] =	ssyncadd.tile.s32 @!p0 $0x1;
	_ =	shalt  }
.Lfunc_end2:
_tile_overlayer_lowered:
.L_overlay_start_2:
0x1ff: {  	(tag) =	ssettag $0x2  }
0x200: {  	s0 =	rddreg [dreg:$0x0];
	s2 =	stileid.u32  }
0x201: {  	s1 =	rddreg [dreg:$0x1];
	p0 =	sne.s32 s2, $0x0  }
0x202: {  	s3 =	rddreg [dreg:$0x2];
	[bflag:$0x3] =	sbarrier.arrive $0xFFFF;
	s2 =	simm.s32 @!p0 $0x1C02  }
0x203: {  	[timem:s3], [sflag:s2] =	dma.local @!p0 [hbm:s0], s1  }
0x204: {  	s0 =	simm.s32 @!p0 $0x2  }
0x205: {  	_ =	swait.ge @!p0 [sflag:s0], s1  }
0x206: {  	s1 =	ssub.s32 @!p0 $0x0, s1;
	[sflag:s0] =	ssyncset.done @!p0 $0x0  }
0x207: {  	[sflag:s0] =	ssyncadd.s32 @!p0 s1  }
0x208: {  	[bflag:$0x3] =	sbarrier.arrive $0xFFFF  }
0x209: {  	_ =	shalt  }

</sc_bundles>
